<compile_context>
chip_gen: v7x
topology: tpu7x:2x2x1
jax: 0.10.2.dev20260603
libtpu: 0.0.44.dev20260713+nightly
codegen_flags: <defaults>
</compile_context>

<pallas_src>
import functools

import jax
import jax.numpy as jnp
from jax import lax
from jax.experimental import pallas as pl
from jax.experimental.pallas import tpu as pltpu
from jax.experimental.pallas import tpu_sc as plsc

_N_NODES = 10000
_N_GRAPHS = 64
_D_NODE = 128
_D_GLOBAL = 8

_N_WORKERS = 16
_N_PAD = 10240
_CHUNK = _N_PAD // _N_WORKERS
_TAIL = _N_NODES - 15 * _CHUNK
_BINS = 80


def _tc_compress(x_ref, xr_ref, wn_ref, s_ref):
    d = x_ref[...] - xr_ref[...]
    sv = jnp.sum(d * wn_ref[...], axis=1)
    s_ref[0:78, :] = sv[:9984].reshape(78, 128)
    s_ref[78:79, 0:16] = sv[9984:10000].reshape(1, 16)


def _sc_pool(s_hbm, batch_hbm, u_hbm, ur_hbm, w_hbm, b_hbm, out_hbm,
             s_v, b_v, sums_v, cnts_v, u_v, ur_v, w16_v, b1_v, ut_v,
             shared_s, shared_c, shared_u, all_s, all_c, all_u, out_v):
    wid = lax.axis_index("s")
    base = wid * _CHUNK
    pltpu.sync_copy(s_hbm.at[pl.ds(base, _CHUNK)], s_v)

    @pl.when(wid < _N_WORKERS - 1)
    def _():
        pltpu.sync_copy(batch_hbm.at[pl.ds(base, _CHUNK)], b_v)

    @pl.when(wid == _N_WORKERS - 1)
    def _():
        pltpu.sync_copy(batch_hbm.at[pl.ds(15 * _CHUNK, _TAIL)],
                        b_v.at[pl.ds(0, _TAIL)])

    zeros = jnp.zeros((16,), jnp.float32)
    for j in range(_BINS // 16):
        sums_v[pl.ds(j * 16, 16)] = zeros
        cnts_v[pl.ds(j * 16, 16)] = zeros

    ones = jnp.ones((16,), jnp.float32)

    def step(i, carry):
        idx = b_v[pl.ds(i * 16, 16)]
        vals = s_v[pl.ds(i * 16, 16)]
        plsc.addupdate_scatter(sums_v, [idx], vals)
        plsc.addupdate_scatter(cnts_v, [idx], ones)
        return carry

    n_windows = jnp.where(wid == _N_WORKERS - 1, _TAIL // 16, _CHUNK // 16)
    lax.fori_loop(0, n_windows, step, 0)

    @pl.when(wid == _N_WORKERS - 1)
    def _():
        pltpu.sync_copy(u_hbm, u_v)
        pltpu.sync_copy(ur_hbm, ur_v)
        pltpu.sync_copy(w_hbm.at[pl.ds(0, 16)], w16_v)
        pltpu.sync_copy(b_hbm, b1_v.at[pl.ds(0, 1)])
        lanes = lax.iota(jnp.int32, 16)
        w16 = w16_v[pl.ds(0, 16)]
        wupat = w16.at[lanes & 7].get(mode="promise_in_bounds")
        for j in range(_BINS // 16):
            ut_v[pl.ds(j * 16, 16)] = zeros
        for j in range(_N_GRAPHS * _D_GLOBAL // 16):
            du = u_v[pl.ds(j * 16, 16)] - ur_v[pl.ds(j * 16, 16)]
            idx = (lanes >> 3) + 2 * j
            plsc.addupdate_scatter(ut_v, [idx], du * wupat)
        b16 = b1_v[pl.ds(0, 16)]
        bvec = b16.at[jnp.zeros((16,), jnp.int32)].get(mode="promise_in_bounds")
        for j in range(_N_GRAPHS // 16):
            ut_v[pl.ds(j * 16, 16)] = ut_v[pl.ds(j * 16, 16)] + bvec
        pltpu.sync_copy(ut_v, shared_u)

    pltpu.sync_copy(sums_v, shared_s.at[pl.ds(wid * _BINS, _BINS)])
    pltpu.sync_copy(cnts_v, shared_c.at[pl.ds(wid * _BINS, _BINS)])
    plsc.subcore_barrier()

    @pl.when(wid == 0)
    def _():
        pltpu.sync_copy(shared_s, all_s)
        pltpu.sync_copy(shared_c, all_c)
        pltpu.sync_copy(shared_u, all_u)
        for j in range(_N_GRAPHS // 16):
            tot = jnp.zeros((16,), jnp.float32)
            cnt = jnp.zeros((16,), jnp.float32)
            for w in range(_N_WORKERS):
                tot = tot + all_s[pl.ds(w * _BINS + j * 16, 16)]
                cnt = cnt + all_c[pl.ds(w * _BINS + j * 16, 16)]
            mean = tot / jnp.maximum(cnt, 1.0)
            out_v[pl.ds(j * 16, 16)] = mean + all_u[pl.ds(j * 16, 16)]
        pltpu.sync_copy(out_v, out_hbm)


def kernel(x, x_reactant, edge_index, edge_index_reactant, edge_attr,
           edge_attr_reactant, u, u_reactant, batch, W, b):
    del edge_index, edge_index_reactant, edge_attr, edge_attr_reactant
    wn = W[_D_GLOBAL:_D_GLOBAL + _D_NODE].reshape(1, _D_NODE)

    s = pl.pallas_call(
        _tc_compress,
        out_shape=jax.ShapeDtypeStruct((_N_PAD // _D_NODE, _D_NODE),
                                       jnp.float32),
    )(x, x_reactant, wn)

    sc_pool = functools.partial(
        pl.kernel,
        out_type=jax.ShapeDtypeStruct((_N_GRAPHS,), jnp.float32),
        mesh=plsc.VectorSubcoreMesh(core_axis_name="c", subcore_axis_name="s",
                                    num_cores=1),
        compiler_params=pltpu.CompilerParams(needs_layout_passes=False),
        scratch_types=[
            pltpu.VMEM((_CHUNK,), jnp.float32),
            pltpu.VMEM((_CHUNK,), jnp.int32),
            pltpu.VMEM((_BINS,), jnp.float32),
            pltpu.VMEM((_BINS,), jnp.float32),
            pltpu.VMEM((_N_GRAPHS * _D_GLOBAL,), jnp.float32),
            pltpu.VMEM((_N_GRAPHS * _D_GLOBAL,), jnp.float32),
            pltpu.VMEM((16,), jnp.float32),
            pltpu.VMEM((16,), jnp.float32),
            pltpu.VMEM((_BINS,), jnp.float32),
            pltpu.VMEM_SHARED((_N_WORKERS * _BINS,), jnp.float32),
            pltpu.VMEM_SHARED((_N_WORKERS * _BINS,), jnp.float32),
            pltpu.VMEM_SHARED((_BINS,), jnp.float32),
            pltpu.VMEM((_N_WORKERS * _BINS,), jnp.float32),
            pltpu.VMEM((_N_WORKERS * _BINS,), jnp.float32),
            pltpu.VMEM((_BINS,), jnp.float32),
            pltpu.VMEM((_N_GRAPHS,), jnp.float32),
        ],
    )(_sc_pool)

    out = sc_pool(s.reshape(-1), batch.astype(jnp.int32),
                  u.reshape(-1), u_reactant.reshape(-1), W.reshape(-1), b)
    return out.reshape(_N_GRAPHS, 1)

# --- scband reference (transcript-rebuilt; emitter-appended) ---
"""Pipeline reference for scband-message-passing-diff-classifier-model-37692632990075 (READ-ONLY COPY).

The authoritative reference and input builder live on the scoring server;
editing this copy changes nothing except your own understanding.
"""

import jax, jax.numpy as jnp
import numpy as np

N_NODES = 10000
N_EDGES = 320000
N_GRAPHS = 64
D_NODE = 128
D_EDGE = 16
D_GLOBAL = 8


def global_mean_pool(data, segment_ids, num_segments):
    sums = jax.ops.segment_sum(data, segment_ids, num_segments=num_segments)
    counts = jax.ops.segment_sum(jnp.ones((data.shape[0],), dtype=data.dtype), segment_ids, num_segments=num_segments)
    counts = jnp.clip(counts, 1.0, None)
    return sums / counts[:, None]


def setup_inputs(seed: int = 0) -> dict:
    key = jax.random.key(seed)
    ks = jax.random.split(key, 12)
    x = jax.random.normal(ks[0], (N_NODES, D_NODE), dtype=jnp.float32)
    x_reactant = jax.random.normal(ks[1], (N_NODES, D_NODE), dtype=jnp.float32)
    edge_index = jax.random.randint(ks[2], (2, N_EDGES), 0, N_NODES)
    edge_index_reactant = jax.random.randint(ks[3], (2, N_EDGES), 0, N_NODES)
    edge_attr = jax.random.normal(ks[4], (N_EDGES, D_EDGE), dtype=jnp.float32)
    edge_attr_reactant = jax.random.normal(ks[5], (N_EDGES, D_EDGE), dtype=jnp.float32)
    u = jax.random.normal(ks[6], (N_GRAPHS, D_GLOBAL), dtype=jnp.float32)
    u_reactant = jax.random.normal(ks[7], (N_GRAPHS, D_GLOBAL), dtype=jnp.float32)
    batch = jnp.sort(jax.random.randint(ks[8], (N_NODES,), 0, N_GRAPHS))
    # final linear layer params: in = D_NODE + D_EDGE + D_GLOBAL -> 1
    fan_in = D_NODE + D_EDGE + D_GLOBAL
    W = jax.random.uniform(ks[9], (fan_in, 1), dtype=jnp.float32, minval=-1.0, maxval=1.0) / np.sqrt(fan_in)
    b = jax.random.uniform(ks[10], (1,), dtype=jnp.float32, minval=-1.0, maxval=1.0) / np.sqrt(fan_in)
    return {"x": x, "x_reactant": x_reactant, "edge_index": edge_index,
            "edge_index_reactant": edge_index_reactant, "edge_attr": edge_attr,
            "edge_attr_reactant": edge_attr_reactant, "u": u, "u_reactant": u_reactant,
            "batch": batch, "W": W, "b": b}


def reference(x, x_reactant, edge_index, edge_index_reactant, edge_attr,
              edge_attr_reactant, u, u_reactant, batch, W, b):
    # Graph2GraphModel blocks are treated as identity (definition not provided;
    # they preserve feature dimensionality). Graph2PropertyModel + final Linear
    # are implemented faithfully.
    u = u.reshape(-1, D_GLOBAL)
    u_reactant = u_reactant.reshape(-1, D_GLOBAL)
    row = edge_index[0]
    averaged_node_features = global_mean_pool(x, batch, N_GRAPHS)
    averaged_edge_features = global_mean_pool(edge_attr, batch[row], N_GRAPHS)
    out = jnp.concatenate([u, averaged_node_features, averaged_edge_features], axis=1)
    averaged_node_features_reactant = global_mean_pool(x_reactant, batch, N_GRAPHS)
    out_reactant = jnp.concatenate([u_reactant, averaged_node_features_reactant, averaged_edge_features], axis=1)
    out = out - out_reactant
    out = out @ W + b
    return out

if __name__ == "__main__":
    import jax
    _d = setup_inputs()
    print(jax.jit(kernel)(*tuple(_d.values())))

</pallas_src>

<mosaic_0001>
#map = affine_map<(d0, d1) -> (0)>
module attributes {stable_mosaic.version = 14 : i64} {
  func.func @_sc_pool(%arg0: i32, %arg1: i32, %arg2: memref<10240xf32, #tpu.memory_space<hbm>>, %arg3: memref<10000xi32, #tpu.memory_space<hbm>>, %arg4: memref<512xf32, #tpu.memory_space<hbm>>, %arg5: memref<512xf32, #tpu.memory_space<hbm>>, %arg6: memref<152xf32, #tpu.memory_space<hbm>>, %arg7: memref<1xf32, #tpu.memory_space<hbm>>, %arg8: memref<64xf32, #tpu.memory_space<hbm>>, %arg9: memref<640xf32, #tpu.memory_space<vmem>>, %arg10: memref<640xi32, #tpu.memory_space<vmem>>, %arg11: memref<80xf32, #tpu.memory_space<vmem>>, %arg12: memref<80xf32, #tpu.memory_space<vmem>>, %arg13: memref<512xf32, #tpu.memory_space<vmem>>, %arg14: memref<512xf32, #tpu.memory_space<vmem>>, %arg15: memref<16xf32, #tpu.memory_space<vmem>>, %arg16: memref<16xf32, #tpu.memory_space<vmem>>, %arg17: memref<80xf32, #tpu.memory_space<vmem>>, %arg18: memref<1280xf32, #tpu.memory_space<vmem_shared>>, %arg19: memref<1280xf32, #tpu.memory_space<vmem_shared>>, %arg20: memref<80xf32, #tpu.memory_space<vmem_shared>>, %arg21: memref<1280xf32, #tpu.memory_space<vmem>>, %arg22: memref<1280xf32, #tpu.memory_space<vmem>>, %arg23: memref<80xf32, #tpu.memory_space<vmem>>, %arg24: memref<64xf32, #tpu.memory_space<vmem>>) attributes {dimension_semantics = [#tpu.dimension_semantics<core_parallel>, #tpu.dimension_semantics<subcore_parallel>], iteration_bounds = array<i64: 1, 16>, scalar_prefetch = 0 : i64, scratch_operands = 16 : i64, tpu.core_type = #tpu.core_type<sc_vector_subcore>, window_params = [{transform_indices = #map}, {transform_indices = #map}, {transform_indices = #map}, {transform_indices = #map}, {transform_indices = #map}, {transform_indices = #map}, {transform_indices = #map}]} {
    %mul3A = arith.constant 640 : i32
    %mul3A_0 = arith.muli %arg1, %mul3A : i32
    "tpu.region"() ({
      %run_scoped3A = tpu.sem_alloc : memref<!tpu.dma_semaphore, #tpu.memory_space<semaphore_mem>>
      %dma_start3A = tpu.memref_slice %arg2[%mul3A_0] : memref<10240xf32, #tpu.memory_space<hbm>> -> memref<640xf32, #tpu.memory_space<hbm>>
      %dma_start3A_55 = tpu.memref_slice %arg2[%mul3A_0] : memref<10240xf32, #tpu.memory_space<hbm>> -> memref<640xf32, #tpu.memory_space<hbm>>
      tpu.enqueue_dma source(%dma_start3A_55 : memref<640xf32, #tpu.memory_space<hbm>>) target(%arg9 : memref<640xf32, #tpu.memory_space<vmem>>) target_semaphore(%run_scoped3A : memref<!tpu.dma_semaphore, #tpu.memory_space<semaphore_mem>>)
      %dma_wait3A = tpu.memref_slice %arg2[%mul3A_0] : memref<10240xf32, #tpu.memory_space<hbm>> -> memref<640xf32, #tpu.memory_space<hbm>>
      %dma_wait3A_56 = tpu.memref_slice %arg2[%mul3A_0] : memref<10240xf32, #tpu.memory_space<hbm>> -> memref<640xf32, #tpu.memory_space<hbm>>
      tpu.wait_dma2 semaphore(%run_scoped3A : memref<!tpu.dma_semaphore, #tpu.memory_space<semaphore_mem>>) src(%dma_wait3A_56 : memref<640xf32, #tpu.memory_space<hbm>>) dst(%arg9 : memref<640xf32, #tpu.memory_space<vmem>>)
      tpu.yield
    }) : () -> ()
    %lt3A = arith.constant 15 : i32
    %lt3A_1 = arith.cmpi slt, %arg1, %lt3A : i32
    %convert_element_type3A = arith.extui %lt3A_1 : i1 to i32
    %cond3A = arith.constant 0 : i32
    %cond3A_2 = arith.cmpi ne, %convert_element_type3A, %cond3A : i32
    scf.if %cond3A_2 {
      "tpu.region"() ({
        %run_scoped3A = tpu.sem_alloc : memref<!tpu.dma_semaphore, #tpu.memory_space<semaphore_mem>>
        %dma_start3A = tpu.memref_slice %arg3[%mul3A_0] : memref<10000xi32, #tpu.memory_space<hbm>> -> memref<640xi32, #tpu.memory_space<hbm>>
        %dma_start3A_55 = tpu.memref_slice %arg3[%mul3A_0] : memref<10000xi32, #tpu.memory_space<hbm>> -> memref<640xi32, #tpu.memory_space<hbm>>
        tpu.enqueue_dma source(%dma_start3A_55 : memref<640xi32, #tpu.memory_space<hbm>>) target(%arg10 : memref<640xi32, #tpu.memory_space<vmem>>) target_semaphore(%run_scoped3A : memref<!tpu.dma_semaphore, #tpu.memory_space<semaphore_mem>>)
        %dma_wait3A = tpu.memref_slice %arg3[%mul3A_0] : memref<10000xi32, #tpu.memory_space<hbm>> -> memref<640xi32, #tpu.memory_space<hbm>>
        %dma_wait3A_56 = tpu.memref_slice %arg3[%mul3A_0] : memref<10000xi32, #tpu.memory_space<hbm>> -> memref<640xi32, #tpu.memory_space<hbm>>
        tpu.wait_dma2 semaphore(%run_scoped3A : memref<!tpu.dma_semaphore, #tpu.memory_space<semaphore_mem>>) src(%dma_wait3A_56 : memref<640xi32, #tpu.memory_space<hbm>>) dst(%arg10 : memref<640xi32, #tpu.memory_space<vmem>>)
        tpu.yield
      }) : () -> ()
    } else {
    }
    %eq3A = arith.constant 15 : i32
    %eq3A_3 = arith.cmpi eq, %arg1, %eq3A : i32
    %convert_element_type3A_4 = arith.extui %eq3A_3 : i1 to i32
    %cond3A_5 = arith.constant 0 : i32
    %cond3A_6 = arith.cmpi ne, %convert_element_type3A_4, %cond3A_5 : i32
    scf.if %cond3A_6 {
      "tpu.region"() ({
        %run_scoped3A = tpu.sem_alloc : memref<!tpu.dma_semaphore, #tpu.memory_space<semaphore_mem>>
        %dma_start3A = arith.constant 0 : i32
        %dma_start3A_55 = tpu.memref_slice %arg10[%dma_start3A] : memref<640xi32, #tpu.memory_space<vmem>> -> memref<400xi32, #tpu.memory_space<vmem>>
        %dma_start3A_56 = arith.constant 9600 : i32
        %dma_start3A_57 = tpu.memref_slice %arg3[%dma_start3A_56] : memref<10000xi32, #tpu.memory_space<hbm>> -> memref<400xi32, #tpu.memory_space<hbm>>
        %dma_start3A_58 = arith.constant 0 : i32
        %dma_start3A_59 = tpu.memref_slice %arg10[%dma_start3A_58] : memref<640xi32, #tpu.memory_space<vmem>> -> memref<400xi32, #tpu.memory_space<vmem>>
        %dma_start3A_60 = arith.constant 9600 : i32
        %dma_start3A_61 = tpu.memref_slice %arg3[%dma_start3A_60] : memref<10000xi32, #tpu.memory_space<hbm>> -> memref<400xi32, #tpu.memory_space<hbm>>
        tpu.enqueue_dma source(%dma_start3A_61 : memref<400xi32, #tpu.memory_space<hbm>>) target(%dma_start3A_59 : memref<400xi32, #tpu.memory_space<vmem>>) target_semaphore(%run_scoped3A : memref<!tpu.dma_semaphore, #tpu.memory_space<semaphore_mem>>)
        %dma_wait3A = arith.constant 0 : i32
        %dma_wait3A_62 = tpu.memref_slice %arg10[%dma_wait3A] : memref<640xi32, #tpu.memory_space<vmem>> -> memref<400xi32, #tpu.memory_space<vmem>>
        %dma_wait3A_63 = arith.constant 9600 : i32
        %dma_wait3A_64 = tpu.memref_slice %arg3[%dma_wait3A_63] : memref<10000xi32, #tpu.memory_space<hbm>> -> memref<400xi32, #tpu.memory_space<hbm>>
        %dma_wait3A_65 = arith.constant 0 : i32
        %dma_wait3A_66 = tpu.memref_slice %arg10[%dma_wait3A_65] : memref<640xi32, #tpu.memory_space<vmem>> -> memref<400xi32, #tpu.memory_space<vmem>>
        %dma_wait3A_67 = arith.constant 9600 : i32
        %dma_wait3A_68 = tpu.memref_slice %arg3[%dma_wait3A_67] : memref<10000xi32, #tpu.memory_space<hbm>> -> memref<400xi32, #tpu.memory_space<hbm>>
        tpu.wait_dma2 semaphore(%run_scoped3A : memref<!tpu.dma_semaphore, #tpu.memory_space<semaphore_mem>>) src(%dma_wait3A_68 : memref<400xi32, #tpu.memory_space<hbm>>) dst(%dma_wait3A_66 : memref<400xi32, #tpu.memory_space<vmem>>)
        tpu.yield
      }) : () -> ()
    } else {
    }
    %broadcast_in_dim3A = arith.constant 0.000000e+00 : f32
    %broadcast_in_dim3A_7 = vector.broadcast %broadcast_in_dim3A : f32 to vector<16xf32>
    %swap3A = arith.constant 0 : index
    %swap3A_8 = tpu.vector_load %arg11[%swap3A] {strides = array<i32>} : memref<80xf32, #tpu.memory_space<vmem>>, vector<16xf32>,
    tpu.vector_store %arg11[%swap3A], %broadcast_in_dim3A_7 {strides = array<i32>} : memref<80xf32, #tpu.memory_space<vmem>>, vector<16xf32>,
    %swap3A_9 = arith.constant 0 : index
    %swap3A_10 = tpu.vector_load %arg12[%swap3A_9] {strides = array<i32>} : memref<80xf32, #tpu.memory_space<vmem>>, vector<16xf32>,
    tpu.vector_store %arg12[%swap3A_9], %broadcast_in_dim3A_7 {strides = array<i32>} : memref<80xf32, #tpu.memory_space<vmem>>, vector<16xf32>,
    %swap3A_11 = arith.constant 16 : index
    %swap3A_12 = tpu.vector_load %arg11[%swap3A_11] {strides = array<i32>} : memref<80xf32, #tpu.memory_space<vmem>>, vector<16xf32>,
    tpu.vector_store %arg11[%swap3A_11], %broadcast_in_dim3A_7 {strides = array<i32>} : memref<80xf32, #tpu.memory_space<vmem>>, vector<16xf32>,
    %swap3A_13 = arith.constant 16 : index
    %swap3A_14 = tpu.vector_load %arg12[%swap3A_13] {strides = array<i32>} : memref<80xf32, #tpu.memory_space<vmem>>, vector<16xf32>,
    tpu.vector_store %arg12[%swap3A_13], %broadcast_in_dim3A_7 {strides = array<i32>} : memref<80xf32, #tpu.memory_space<vmem>>, vector<16xf32>,
    %swap3A_15 = arith.constant 32 : index
    %swap3A_16 = tpu.vector_load %arg11[%swap3A_15] {strides = array<i32>} : memref<80xf32, #tpu.memory_space<vmem>>, vector<16xf32>,
    tpu.vector_store %arg11[%swap3A_15], %broadcast_in_dim3A_7 {strides = array<i32>} : memref<80xf32, #tpu.memory_space<vmem>>, vector<16xf32>,
    %swap3A_17 = arith.constant 32 : index
    %swap3A_18 = tpu.vector_load %arg12[%swap3A_17] {strides = array<i32>} : memref<80xf32, #tpu.memory_space<vmem>>, vector<16xf32>,
    tpu.vector_store %arg12[%swap3A_17], %broadcast_in_dim3A_7 {strides = array<i32>} : memref<80xf32, #tpu.memory_space<vmem>>, vector<16xf32>,
    %swap3A_19 = arith.constant 48 : index
    %swap3A_20 = tpu.vector_load %arg11[%swap3A_19] {strides = array<i32>} : memref<80xf32, #tpu.memory_space<vmem>>, vector<16xf32>,
    tpu.vector_store %arg11[%swap3A_19], %broadcast_in_dim3A_7 {strides = array<i32>} : memref<80xf32, #tpu.memory_space<vmem>>, vector<16xf32>,
    %swap3A_21 = arith.constant 48 : index
    %swap3A_22 = tpu.vector_load %arg12[%swap3A_21] {strides = array<i32>} : memref<80xf32, #tpu.memory_space<vmem>>, vector<16xf32>,
    tpu.vector_store %arg12[%swap3A_21], %broadcast_in_dim3A_7 {strides = array<i32>} : memref<80xf32, #tpu.memory_space<vmem>>, vector<16xf32>,
    %swap3A_23 = arith.constant 64 : index
    %swap3A_24 = tpu.vector_load %arg11[%swap3A_23] {strides = array<i32>} : memref<80xf32, #tpu.memory_space<vmem>>, vector<16xf32>,
    tpu.vector_store %arg11[%swap3A_23], %broadcast_in_dim3A_7 {strides = array<i32>} : memref<80xf32, #tpu.memory_space<vmem>>, vector<16xf32>,
    %swap3A_25 = arith.constant 64 : index
    %swap3A_26 = tpu.vector_load %arg12[%swap3A_25] {strides = array<i32>} : memref<80xf32, #tpu.memory_space<vmem>>, vector<16xf32>,
    tpu.vector_store %arg12[%swap3A_25], %broadcast_in_dim3A_7 {strides = array<i32>} : memref<80xf32, #tpu.memory_space<vmem>>, vector<16xf32>,
    %broadcast_in_dim3A_27 = arith.constant 1.000000e+00 : f32
    %broadcast_in_dim3A_28 = vector.broadcast %broadcast_in_dim3A_27 : f32 to vector<16xf32>
    %eq3A_29 = arith.constant 15 : i32
    %eq3A_30 = arith.cmpi eq, %arg1, %eq3A_29 : i32
    %jit3A = arith.constant 25 : i32
    %jit3A_31 = arith.constant 40 : i32
    %select_n3A = arith.select %eq3A_30, %jit3A, %jit3A_31 : i32
    %while3A = arith.constant 0 : i32
    %while3A_32 = arith.constant 0 : i32
    %while3A_33 = arith.subi %select_n3A, %while3A_32 : i32
    %while3A_34 = arith.addi %while3A_32, %while3A_33 : i32
    %while3A_35 = arith.constant 1 : i32
    %while3A_36 = arith.divsi %while3A_33, %while3A_35 : i32
    %while3A_37 = arith.muli %while3A_36, %while3A_35 : i32
    %while3A_38 = arith.addi %while3A_32, %while3A_37 : i32
    %while3A_39 = arith.constant 1 : i32
    scf.for %while3A_55 = %while3A_32 to %while3A_38 step %while3A_39  : i32 {
      %mul3A_56 = arith.constant 16 : i32
      %mul3A_57 = arith.muli %while3A_55, %mul3A_56 : i32
      %get3A = arith.index_cast %mul3A_57 : i32 to index
      %get3A_58 = tpu.vector_load %arg10[%get3A] {strides = array<i32>} : memref<640xi32, #tpu.memory_space<vmem>>, vector<16xi32>,
      %mul3A_59 = arith.constant 16 : i32
      %mul3A_60 = arith.muli %while3A_55, %mul3A_59 : i32
      %get3A_61 = arith.index_cast %mul3A_60 : i32 to index
      %get3A_62 = tpu.vector_load %arg9[%get3A_61] {strides = array<i32>} : memref<640xf32, #tpu.memory_space<vmem>>, vector<16xf32>,
      tpu.vector_store_idx %arg11[%get3A_58], %get3A_62 {add = true} : memref<80xf32, #tpu.memory_space<vmem>>[vector<16xi32>], vector<16xf32>,
      tpu.vector_store_idx %arg12[%get3A_58], %broadcast_in_dim3A_28 {add = true} : memref<80xf32, #tpu.memory_space<vmem>>[vector<16xi32>], vector<16xf32>,
    }
    %while3A_40 = arith.constant 1 : i32
    scf.for %while3A_55 = %while3A_38 to %while3A_34 step %while3A_40  : i32 {
      %mul3A_56 = arith.constant 16 : i32
      %mul3A_57 = arith.muli %while3A_55, %mul3A_56 : i32
      %get3A = arith.index_cast %mul3A_57 : i32 to index
      %get3A_58 = tpu.vector_load %arg10[%get3A] {strides = array<i32>} : memref<640xi32, #tpu.memory_space<vmem>>, vector<16xi32>,
      %mul3A_59 = arith.constant 16 : i32
      %mul3A_60 = arith.muli %while3A_55, %mul3A_59 : i32
      %get3A_61 = arith.index_cast %mul3A_60 : i32 to index
      %get3A_62 = tpu.vector_load %arg9[%get3A_61] {strides = array<i32>} : memref<640xf32, #tpu.memory_space<vmem>>, vector<16xf32>,
      tpu.vector_store_idx %arg11[%get3A_58], %get3A_62 {add = true} : memref<80xf32, #tpu.memory_space<vmem>>[vector<16xi32>], vector<16xf32>,
      tpu.vector_store_idx %arg12[%get3A_58], %broadcast_in_dim3A_28 {add = true} : memref<80xf32, #tpu.memory_space<vmem>>[vector<16xi32>], vector<16xf32>,
    }
    %eq3A_41 = arith.constant 15 : i32
    %eq3A_42 = arith.cmpi eq, %arg1, %eq3A_41 : i32
    %convert_element_type3A_43 = arith.extui %eq3A_42 : i1 to i32
    %cond3A_44 = arith.constant 0 : i32
    %cond3A_45 = arith.cmpi ne, %convert_element_type3A_43, %cond3A_44 : i32
    scf.if %cond3A_45 {
      "tpu.region"() ({
        %run_scoped3A = tpu.sem_alloc : memref<!tpu.dma_semaphore, #tpu.memory_space<semaphore_mem>>
        tpu.enqueue_dma source(%arg4 : memref<512xf32, #tpu.memory_space<hbm>>) target(%arg13 : memref<512xf32, #tpu.memory_space<vmem>>) target_semaphore(%run_scoped3A : memref<!tpu.dma_semaphore, #tpu.memory_space<semaphore_mem>>)
        tpu.wait_dma2 semaphore(%run_scoped3A : memref<!tpu.dma_semaphore, #tpu.memory_space<semaphore_mem>>) src(%arg4 : memref<512xf32, #tpu.memory_space<hbm>>) dst(%arg13 : memref<512xf32, #tpu.memory_space<vmem>>)
        tpu.yield
      }) : () -> ()
      "tpu.region"() ({
        %run_scoped3A = tpu.sem_alloc : memref<!tpu.dma_semaphore, #tpu.memory_space<semaphore_mem>>
        tpu.enqueue_dma source(%arg5 : memref<512xf32, #tpu.memory_space<hbm>>) target(%arg14 : memref<512xf32, #tpu.memory_space<vmem>>) target_semaphore(%run_scoped3A : memref<!tpu.dma_semaphore, #tpu.memory_space<semaphore_mem>>)
        tpu.wait_dma2 semaphore(%run_scoped3A : memref<!tpu.dma_semaphore, #tpu.memory_space<semaphore_mem>>) src(%arg5 : memref<512xf32, #tpu.memory_space<hbm>>) dst(%arg14 : memref<512xf32, #tpu.memory_space<vmem>>)
        tpu.yield
      }) : () -> ()
      "tpu.region"() ({
        %run_scoped3A = tpu.sem_alloc : memref<!tpu.dma_semaphore, #tpu.memory_space<semaphore_mem>>
        %dma_start3A = arith.constant 0 : i32
        %dma_start3A_492 = tpu.memref_slice %arg6[%dma_start3A] : memref<152xf32, #tpu.memory_space<hbm>> -> memref<16xf32, #tpu.memory_space<hbm>>
        %dma_start3A_493 = arith.constant 0 : i32
        %dma_start3A_494 = tpu.memref_slice %arg6[%dma_start3A_493] : memref<152xf32, #tpu.memory_space<hbm>> -> memref<16xf32, #tpu.memory_space<hbm>>
        tpu.enqueue_dma source(%dma_start3A_494 : memref<16xf32, #tpu.memory_space<hbm>>) target(%arg15 : memref<16xf32, #tpu.memory_space<vmem>>) target_semaphore(%run_scoped3A : memref<!tpu.dma_semaphore, #tpu.memory_space<semaphore_mem>>)
        %dma_wait3A = arith.constant 0 : i32
        %dma_wait3A_495 = tpu.memref_slice %arg6[%dma_wait3A] : memref<152xf32, #tpu.memory_space<hbm>> -> memref<16xf32, #tpu.memory_space<hbm>>
        %dma_wait3A_496 = arith.constant 0 : i32
        %dma_wait3A_497 = tpu.memref_slice %arg6[%dma_wait3A_496] : memref<152xf32, #tpu.memory_space<hbm>> -> memref<16xf32, #tpu.memory_space<hbm>>
        tpu.wait_dma2 semaphore(%run_scoped3A : memref<!tpu.dma_semaphore, #tpu.memory_space<semaphore_mem>>) src(%dma_wait3A_497 : memref<16xf32, #tpu.memory_space<hbm>>) dst(%arg15 : memref<16xf32, #tpu.memory_space<vmem>>)
        tpu.yield
      }) : () -> ()
      "tpu.region"() ({
        %run_scoped3A = tpu.sem_alloc : memref<!tpu.dma_semaphore, #tpu.memory_space<semaphore_mem>>
        %dma_start3A = arith.constant 0 : i32
        %dma_start3A_492 = tpu.memref_slice %arg16[%dma_start3A] : memref<16xf32, #tpu.memory_space<vmem>> -> memref<1xf32, #tpu.memory_space<vmem>>
        %dma_start3A_493 = arith.constant 0 : i32
        %dma_start3A_494 = tpu.memref_slice %arg16[%dma_start3A_493] : memref<16xf32, #tpu.memory_space<vmem>> -> memref<1xf32, #tpu.memory_space<vmem>>
        tpu.enqueue_dma source(%arg7 : memref<1xf32, #tpu.memory_space<hbm>>) target(%dma_start3A_494 : memref<1xf32, #tpu.memory_space<vmem>>) target_semaphore(%run_scoped3A : memref<!tpu.dma_semaphore, #tpu.memory_space<semaphore_mem>>)
        %dma_wait3A = arith.constant 0 : i32
        %dma_wait3A_495 = tpu.memref_slice %arg16[%dma_wait3A] : memref<16xf32, #tpu.memory_space<vmem>> -> memref<1xf32, #tpu.memory_space<vmem>>
        %dma_wait3A_496 = arith.constant 0 : i32
        %dma_wait3A_497 = tpu.memref_slice %arg16[%dma_wait3A_496] : memref<16xf32, #tpu.memory_space<vmem>> -> memref<1xf32, #tpu.memory_space<vmem>>
        tpu.wait_dma2 semaphore(%run_scoped3A : memref<!tpu.dma_semaphore, #tpu.memory_space<semaphore_mem>>) src(%arg7 : memref<1xf32, #tpu.memory_space<hbm>>) dst(%dma_wait3A_497 : memref<1xf32, #tpu.memory_space<vmem>>)
        tpu.yield
      }) : () -> ()
      %iota3A = tpu.iota {dimensions = array<i32: 0>} : vector<16xi32>
      %get3A = arith.constant 0 : index
      %get3A_55 = tpu.vector_load %arg15[%get3A] {strides = array<i32>} : memref<16xf32, #tpu.memory_space<vmem>>, vector<16xf32>,
      %and3A = arith.constant 7 : i32
      %and3A_56 = vector.broadcast %and3A : i32 to vector<16xi32>
      %and3A_57 = arith.andi %iota3A, %and3A_56 : vector<16xi32>
      %lt3A_58 = arith.constant 0 : i32
      %lt3A_59 = vector.broadcast %lt3A_58 : i32 to vector<16xi32>
      %lt3A_60 = arith.cmpi slt, %and3A_57, %lt3A_59 : vector<16xi32>
      %add3A = arith.constant 16 : i32
      %add3A_61 = vector.broadcast %add3A : i32 to vector<16xi32>
      %add3A_62 = arith.addi %and3A_57, %add3A_61 : vector<16xi32>
      %select_n3A_63 = arith.select %lt3A_60, %add3A_62, %and3A_57 : vector<16xi1>, vector<16xi32>
      %broadcast_in_dim3A_64 = vector.shape_cast %select_n3A_63 : vector<16xi32> to vector<16x1xi32>
      %gather3A = vector.shape_cast %broadcast_in_dim3A_64 : vector<16x1xi32> to vector<16xi32>
      %gather3A_65 = tpu.dynamic_gather %get3A_55[%gather3A] in [0] : vector<16xf32>, vector<16xi32> -> vector<16xf32>
      %swap3A_66 = arith.constant 0 : index
      %swap3A_67 = tpu.vector_load %arg17[%swap3A_66] {strides = array<i32>} : memref<80xf32, #tpu.memory_space<vmem>>, vector<16xf32>,
      tpu.vector_store %arg17[%swap3A_66], %broadcast_in_dim3A_7 {strides = array<i32>} : memref<80xf32, #tpu.memory_space<vmem>>, vector<16xf32>,
      %swap3A_68 = arith.constant 16 : index
      %swap3A_69 = tpu.vector_load %arg17[%swap3A_68] {strides = array<i32>} : memref<80xf32, #tpu.memory_space<vmem>>, vector<16xf32>,
      tpu.vector_store %arg17[%swap3A_68], %broadcast_in_dim3A_7 {strides = array<i32>} : memref<80xf32, #tpu.memory_space<vmem>>, vector<16xf32>,
      %swap3A_70 = arith.constant 32 : index
      %swap3A_71 = tpu.vector_load %arg17[%swap3A_70] {strides = array<i32>} : memref<80xf32, #tpu.memory_space<vmem>>, vector<16xf32>,
      tpu.vector_store %arg17[%swap3A_70], %broadcast_in_dim3A_7 {strides = array<i32>} : memref<80xf32, #tpu.memory_space<vmem>>, vector<16xf32>,
      %swap3A_72 = arith.constant 48 : index
      %swap3A_73 = tpu.vector_load %arg17[%swap3A_72] {strides = array<i32>} : memref<80xf32, #tpu.memory_space<vmem>>, vector<16xf32>,
      tpu.vector_store %arg17[%swap3A_72], %broadcast_in_dim3A_7 {strides = array<i32>} : memref<80xf32, #tpu.memory_space<vmem>>, vector<16xf32>,
      %swap3A_74 = arith.constant 64 : index
      %swap3A_75 = tpu.vector_load %arg17[%swap3A_74] {strides = array<i32>} : memref<80xf32, #tpu.memory_space<vmem>>, vector<16xf32>,
      tpu.vector_store %arg17[%swap3A_74], %broadcast_in_dim3A_7 {strides = array<i32>} : memref<80xf32, #tpu.memory_space<vmem>>, vector<16xf32>,
      %get3A_76 = arith.constant 0 : index
      %get3A_77 = tpu.vector_load %arg13[%get3A_76] {strides = array<i32>} : memref<512xf32, #tpu.memory_space<vmem>>, vector<16xf32>,
      %get3A_78 = arith.constant 0 : index
      %get3A_79 = tpu.vector_load %arg14[%get3A_78] {strides = array<i32>} : memref<512xf32, #tpu.memory_space<vmem>>, vector<16xf32>,
      %sub3A = arith.subf %get3A_77, %get3A_79 : vector<16xf32>
      %shift_right_arithmetic3A = arith.constant 3 : i32
      %shift_right_arithmetic3A_80 = vector.broadcast %shift_right_arithmetic3A : i32 to vector<16xi32>
      %shift_right_arithmetic3A_81 = arith.shrsi %iota3A, %shift_right_arithmetic3A_80 : vector<16xi32>
      %add3A_82 = arith.constant 0 : i32
      %add3A_83 = vector.broadcast %add3A_82 : i32 to vector<16xi32>
      %add3A_84 = arith.addi %shift_right_arithmetic3A_81, %add3A_83 : vector<16xi32>
      %mul3A_85 = arith.mulf %sub3A, %gather3A_65 : vector<16xf32>
      tpu.vector_store_idx %arg17[%add3A_84], %mul3A_85 {add = true} : memref<80xf32, #tpu.memory_space<vmem>>[vector<16xi32>], vector<16xf32>,
      %get3A_86 = arith.constant 16 : index
      %get3A_87 = tpu.vector_load %arg13[%get3A_86] {strides = array<i32>} : memref<512xf32, #tpu.memory_space<vmem>>, vector<16xf32>,
      %get3A_88 = arith.constant 16 : index
      %get3A_89 = tpu.vector_load %arg14[%get3A_88] {strides = array<i32>} : memref<512xf32, #tpu.memory_space<vmem>>, vector<16xf32>,
      %sub3A_90 = arith.subf %get3A_87, %get3A_89 : vector<16xf32>
      %shift_right_arithmetic3A_91 = arith.constant 3 : i32
      %shift_right_arithmetic3A_92 = vector.broadcast %shift_right_arithmetic3A_91 : i32 to vector<16xi32>
      %shift_right_arithmetic3A_93 = arith.shrsi %iota3A, %shift_right_arithmetic3A_92 : vector<16xi32>
      %add3A_94 = arith.constant 2 : i32
      %add3A_95 = vector.broadcast %add3A_94 : i32 to vector<16xi32>
      %add3A_96 = arith.addi %shift_right_arithmetic3A_93, %add3A_95 : vector<16xi32>
      %mul3A_97 = arith.mulf %sub3A_90, %gather3A_65 : vector<16xf32>
      tpu.vector_store_idx %arg17[%add3A_96], %mul3A_97 {add = true} : memref<80xf32, #tpu.memory_space<vmem>>[vector<16xi32>], vector<16xf32>,
      %get3A_98 = arith.constant 32 : index
      %get3A_99 = tpu.vector_load %arg13[%get3A_98] {strides = array<i32>} : memref<512xf32, #tpu.memory_space<vmem>>, vector<16xf32>,
      %get3A_100 = arith.constant 32 : index
      %get3A_101 = tpu.vector_load %arg14[%get3A_100] {strides = array<i32>} : memref<512xf32, #tpu.memory_space<vmem>>, vector<16xf32>,
      %sub3A_102 = arith.subf %get3A_99, %get3A_101 : vector<16xf32>
      %shift_right_arithmetic3A_103 = arith.constant 3 : i32
      %shift_right_arithmetic3A_104 = vector.broadcast %shift_right_arithmetic3A_103 : i32 to vector<16xi32>
      %shift_right_arithmetic3A_105 = arith.shrsi %iota3A, %shift_right_arithmetic3A_104 : vector<16xi32>
      %add3A_106 = arith.constant 4 : i32
      %add3A_107 = vector.broadcast %add3A_106 : i32 to vector<16xi32>
      %add3A_108 = arith.addi %shift_right_arithmetic3A_105, %add3A_107 : vector<16xi32>
      %mul3A_109 = arith.mulf %sub3A_102, %gather3A_65 : vector<16xf32>
      tpu.vector_store_idx %arg17[%add3A_108], %mul3A_109 {add = true} : memref<80xf32, #tpu.memory_space<vmem>>[vector<16xi32>], vector<16xf32>,
      %get3A_110 = arith.constant 48 : index
      %get3A_111 = tpu.vector_load %arg13[%get3A_110] {strides = array<i32>} : memref<512xf32, #tpu.memory_space<vmem>>, vector<16xf32>,
      %get3A_112 = arith.constant 48 : index
      %get3A_113 = tpu.vector_load %arg14[%get3A_112] {strides = array<i32>} : memref<512xf32, #tpu.memory_space<vmem>>, vector<16xf32>,
      %sub3A_114 = arith.subf %get3A_111, %get3A_113 : vector<16xf32>
      %shift_right_arithmetic3A_115 = arith.constant 3 : i32
      %shift_right_arithmetic3A_116 = vector.broadcast %shift_right_arithmetic3A_115 : i32 to vector<16xi32>
      %shift_right_arithmetic3A_117 = arith.shrsi %iota3A, %shift_right_arithmetic3A_116 : vector<16xi32>
      %add3A_118 = arith.constant 6 : i32
      %add3A_119 = vector.broadcast %add3A_118 : i32 to vector<16xi32>
      %add3A_120 = arith.addi %shift_right_arithmetic3A_117, %add3A_119 : vector<16xi32>
      %mul3A_121 = arith.mulf %sub3A_114, %gather3A_65 : vector<16xf32>
      tpu.vector_store_idx %arg17[%add3A_120], %mul3A_121 {add = true} : memref<80xf32, #tpu.memory_space<vmem>>[vector<16xi32>], vector<16xf32>,
      %get3A_122 = arith.constant 64 : index
      %get3A_123 = tpu.vector_load %arg13[%get3A_122] {strides = array<i32>} : memref<512xf32, #tpu.memory_space<vmem>>, vector<16xf32>,
      %get3A_124 = arith.constant 64 : index
      %get3A_125 = tpu.vector_load %arg14[%get3A_124] {strides = array<i32>} : memref<512xf32, #tpu.memory_space<vmem>>, vector<16xf32>,
      %sub3A_126 = arith.subf %get3A_123, %get3A_125 : vector<16xf32>
      %shift_right_arithmetic3A_127 = arith.constant 3 : i32
      %shift_right_arithmetic3A_128 = vector.broadcast %shift_right_arithmetic3A_127 : i32 to vector<16xi32>
      %shift_right_arithmetic3A_129 = arith.shrsi %iota3A, %shift_right_arithmetic3A_128 : vector<16xi32>
      %add3A_130 = arith.constant 8 : i32
      %add3A_131 = vector.broadcast %add3A_130 : i32 to vector<16xi32>
      %add3A_132 = arith.addi %shift_right_arithmetic3A_129, %add3A_131 : vector<16xi32>
      %mul3A_133 = arith.mulf %sub3A_126, %gather3A_65 : vector<16xf32>
      tpu.vector_store_idx %arg17[%add3A_132], %mul3A_133 {add = true} : memref<80xf32, #tpu.memory_space<vmem>>[vector<16xi32>], vector<16xf32>,
      %get3A_134 = arith.constant 80 : index
      %get3A_135 = tpu.vector_load %arg13[%get3A_134] {strides = array<i32>} : memref<512xf32, #tpu.memory_space<vmem>>, vector<16xf32>,
      %get3A_136 = arith.constant 80 : index
      %get3A_137 = tpu.vector_load %arg14[%get3A_136] {strides = array<i32>} : memref<512xf32, #tpu.memory_space<vmem>>, vector<16xf32>,
      %sub3A_138 = arith.subf %get3A_135, %get3A_137 : vector<16xf32>
      %shift_right_arithmetic3A_139 = arith.constant 3 : i32
      %shift_right_arithmetic3A_140 = vector.broadcast %shift_right_arithmetic3A_139 : i32 to vector<16xi32>
      %shift_right_arithmetic3A_141 = arith.shrsi %iota3A, %shift_right_arithmetic3A_140 : vector<16xi32>
      %add3A_142 = arith.constant 10 : i32
      %add3A_143 = vector.broadcast %add3A_142 : i32 to vector<16xi32>
      %add3A_144 = arith.addi %shift_right_arithmetic3A_141, %add3A_143 : vector<16xi32>
      %mul3A_145 = arith.mulf %sub3A_138, %gather3A_65 : vector<16xf32>
      tpu.vector_store_idx %arg17[%add3A_144], %mul3A_145 {add = true} : memref<80xf32, #tpu.memory_space<vmem>>[vector<16xi32>], vector<16xf32>,
      %get3A_146 = arith.constant 96 : index
      %get3A_147 = tpu.vector_load %arg13[%get3A_146] {strides = array<i32>} : memref<512xf32, #tpu.memory_space<vmem>>, vector<16xf32>,
      %get3A_148 = arith.constant 96 : index
      %get3A_149 = tpu.vector_load %arg14[%get3A_148] {strides = array<i32>} : memref<512xf32, #tpu.memory_space<vmem>>, vector<16xf32>,
      %sub3A_150 = arith.subf %get3A_147, %get3A_149 : vector<16xf32>
      %shift_right_arithmetic3A_151 = arith.constant 3 : i32
      %shift_right_arithmetic3A_152 = vector.broadcast %shift_right_arithmetic3A_151 : i32 to vector<16xi32>
      %shift_right_arithmetic3A_153 = arith.shrsi %iota3A, %shift_right_arithmetic3A_152 : vector<16xi32>
      %add3A_154 = arith.constant 12 : i32
      %add3A_155 = vector.broadcast %add3A_154 : i32 to vector<16xi32>
      %add3A_156 = arith.addi %shift_right_arithmetic3A_153, %add3A_155 : vector<16xi32>
      %mul3A_157 = arith.mulf %sub3A_150, %gather3A_65 : vector<16xf32>
      tpu.vector_store_idx %arg17[%add3A_156], %mul3A_157 {add = true} : memref<80xf32, #tpu.memory_space<vmem>>[vector<16xi32>], vector<16xf32>,
      %get3A_158 = arith.constant 112 : index
      %get3A_159 = tpu.vector_load %arg13[%get3A_158] {strides = array<i32>} : memref<512xf32, #tpu.memory_space<vmem>>, vector<16xf32>,
      %get3A_160 = arith.constant 112 : index
      %get3A_161 = tpu.vector_load %arg14[%get3A_160] {strides = array<i32>} : memref<512xf32, #tpu.memory_space<vmem>>, vector<16xf32>,
      %sub3A_162 = arith.subf %get3A_159, %get3A_161 : vector<16xf32>
      %shift_right_arithmetic3A_163 = arith.constant 3 : i32
      %shift_right_arithmetic3A_164 = vector.broadcast %shift_right_arithmetic3A_163 : i32 to vector<16xi32>
      %shift_right_arithmetic3A_165 = arith.shrsi %iota3A, %shift_right_arithmetic3A_164 : vector<16xi32>
      %add3A_166 = arith.constant 14 : i32
      %add3A_167 = vector.broadcast %add3A_166 : i32 to vector<16xi32>
      %add3A_168 = arith.addi %shift_right_arithmetic3A_165, %add3A_167 : vector<16xi32>
      %mul3A_169 = arith.mulf %sub3A_162, %gather3A_65 : vector<16xf32>
      tpu.vector_store_idx %arg17[%add3A_168], %mul3A_169 {add = true} : memref<80xf32, #tpu.memory_space<vmem>>[vector<16xi32>], vector<16xf32>,
      %get3A_170 = arith.constant 128 : index
      %get3A_171 = tpu.vector_load %arg13[%get3A_170] {strides = array<i32>} : memref<512xf32, #tpu.memory_space<vmem>>, vector<16xf32>,
      %get3A_172 = arith.constant 128 : index
      %get3A_173 = tpu.vector_load %arg14[%get3A_172] {strides = array<i32>} : memref<512xf32, #tpu.memory_space<vmem>>, vector<16xf32>,
      %sub3A_174 = arith.subf %get3A_171, %get3A_173 : vector<16xf32>
      %shift_right_arithmetic3A_175 = arith.constant 3 : i32
      %shift_right_arithmetic3A_176 = vector.broadcast %shift_right_arithmetic3A_175 : i32 to vector<16xi32>
      %shift_right_arithmetic3A_177 = arith.shrsi %iota3A, %shift_right_arithmetic3A_176 : vector<16xi32>
      %add3A_178 = arith.constant 16 : i32
      %add3A_179 = vector.broadcast %add3A_178 : i32 to vector<16xi32>
      %add3A_180 = arith.addi %shift_right_arithmetic3A_177, %add3A_179 : vector<16xi32>
      %mul3A_181 = arith.mulf %sub3A_174, %gather3A_65 : vector<16xf32>
      tpu.vector_store_idx %arg17[%add3A_180], %mul3A_181 {add = true} : memref<80xf32, #tpu.memory_space<vmem>>[vector<16xi32>], vector<16xf32>,
      %get3A_182 = arith.constant 144 : index
      %get3A_183 = tpu.vector_load %arg13[%get3A_182] {strides = array<i32>} : memref<512xf32, #tpu.memory_space<vmem>>, vector<16xf32>,
      %get3A_184 = arith.constant 144 : index
      %get3A_185 = tpu.vector_load %arg14[%get3A_184] {strides = array<i32>} : memref<512xf32, #tpu.memory_space<vmem>>, vector<16xf32>,
      %sub3A_186 = arith.subf %get3A_183, %get3A_185 : vector<16xf32>
      %shift_right_arithmetic3A_187 = arith.constant 3 : i32
      %shift_right_arithmetic3A_188 = vector.broadcast %shift_right_arithmetic3A_187 : i32 to vector<16xi32>
      %shift_right_arithmetic3A_189 = arith.shrsi %iota3A, %shift_right_arithmetic3A_188 : vector<16xi32>
      %add3A_190 = arith.constant 18 : i32
      %add3A_191 = vector.broadcast %add3A_190 : i32 to vector<16xi32>
      %add3A_192 = arith.addi %shift_right_arithmetic3A_189, %add3A_191 : vector<16xi32>
      %mul3A_193 = arith.mulf %sub3A_186, %gather3A_65 : vector<16xf32>
      tpu.vector_store_idx %arg17[%add3A_192], %mul3A_193 {add = true} : memref<80xf32, #tpu.memory_space<vmem>>[vector<16xi32>], vector<16xf32>,
      %get3A_194 = arith.constant 160 : index
      %get3A_195 = tpu.vector_load %arg13[%get3A_194] {strides = array<i32>} : memref<512xf32, #tpu.memory_space<vmem>>, vector<16xf32>,
      %get3A_196 = arith.constant 160 : index
      %get3A_197 = tpu.vector_load %arg14[%get3A_196] {strides = array<i32>} : memref<512xf32, #tpu.memory_space<vmem>>, vector<16xf32>,
      %sub3A_198 = arith.subf %get3A_195, %get3A_197 : vector<16xf32>
      %shift_right_arithmetic3A_199 = arith.constant 3 : i32
      %shift_right_arithmetic3A_200 = vector.broadcast %shift_right_arithmetic3A_199 : i32 to vector<16xi32>
      %shift_right_arithmetic3A_201 = arith.shrsi %iota3A, %shift_right_arithmetic3A_200 : vector<16xi32>
      %add3A_202 = arith.constant 20 : i32
      %add3A_203 = vector.broadcast %add3A_202 : i32 to vector<16xi32>
      %add3A_204 = arith.addi %shift_right_arithmetic3A_201, %add3A_203 : vector<16xi32>
      %mul3A_205 = arith.mulf %sub3A_198, %gather3A_65 : vector<16xf32>
      tpu.vector_store_idx %arg17[%add3A_204], %mul3A_205 {add = true} : memref<80xf32, #tpu.memory_space<vmem>>[vector<16xi32>], vector<16xf32>,
      %get3A_206 = arith.constant 176 : index
      %get3A_207 = tpu.vector_load %arg13[%get3A_206] {strides = array<i32>} : memref<512xf32, #tpu.memory_space<vmem>>, vector<16xf32>,
      %get3A_208 = arith.constant 176 : index
      %get3A_209 = tpu.vector_load %arg14[%get3A_208] {strides = array<i32>} : memref<512xf32, #tpu.memory_space<vmem>>, vector<16xf32>,
      %sub3A_210 = arith.subf %get3A_207, %get3A_209 : vector<16xf32>
      %shift_right_arithmetic3A_211 = arith.constant 3 : i32
      %shift_right_arithmetic3A_212 = vector.broadcast %shift_right_arithmetic3A_211 : i32 to vector<16xi32>
      %shift_right_arithmetic3A_213 = arith.shrsi %iota3A, %shift_right_arithmetic3A_212 : vector<16xi32>
      %add3A_214 = arith.constant 22 : i32
      %add3A_215 = vector.broadcast %add3A_214 : i32 to vector<16xi32>
      %add3A_216 = arith.addi %shift_right_arithmetic3A_213, %add3A_215 : vector<16xi32>
      %mul3A_217 = arith.mulf %sub3A_210, %gather3A_65 : vector<16xf32>
      tpu.vector_store_idx %arg17[%add3A_216], %mul3A_217 {add = true} : memref<80xf32, #tpu.memory_space<vmem>>[vector<16xi32>], vector<16xf32>,
      %get3A_218 = arith.constant 192 : index
      %get3A_219 = tpu.vector_load %arg13[%get3A_218] {strides = array<i32>} : memref<512xf32, #tpu.memory_space<vmem>>, vector<16xf32>,
      %get3A_220 = arith.constant 192 : index
      %get3A_221 = tpu.vector_load %arg14[%get3A_220] {strides = array<i32>} : memref<512xf32, #tpu.memory_space<vmem>>, vector<16xf32>,
      %sub3A_222 = arith.subf %get3A_219, %get3A_221 : vector<16xf32>
      %shift_right_arithmetic3A_223 = arith.constant 3 : i32
      %shift_right_arithmetic3A_224 = vector.broadcast %shift_right_arithmetic3A_223 : i32 to vector<16xi32>
      %shift_right_arithmetic3A_225 = arith.shrsi %iota3A, %shift_right_arithmetic3A_224 : vector<16xi32>
      %add3A_226 = arith.constant 24 : i32
      %add3A_227 = vector.broadcast %add3A_226 : i32 to vector<16xi32>
      %add3A_228 = arith.addi %shift_right_arithmetic3A_225, %add3A_227 : vector<16xi32>
      %mul3A_229 = arith.mulf %sub3A_222, %gather3A_65 : vector<16xf32>
      tpu.vector_store_idx %arg17[%add3A_228], %mul3A_229 {add = true} : memref<80xf32, #tpu.memory_space<vmem>>[vector<16xi32>], vector<16xf32>,
      %get3A_230 = arith.constant 208 : index
      %get3A_231 = tpu.vector_load %arg13[%get3A_230] {strides = array<i32>} : memref<512xf32, #tpu.memory_space<vmem>>, vector<16xf32>,
      %get3A_232 = arith.constant 208 : index
      %get3A_233 = tpu.vector_load %arg14[%get3A_232] {strides = array<i32>} : memref<512xf32, #tpu.memory_space<vmem>>, vector<16xf32>,
      %sub3A_234 = arith.subf %get3A_231, %get3A_233 : vector<16xf32>
      %shift_right_arithmetic3A_235 = arith.constant 3 : i32
      %shift_right_arithmetic3A_236 = vector.broadcast %shift_right_arithmetic3A_235 : i32 to vector<16xi32>
      %shift_right_arithmetic3A_237 = arith.shrsi %iota3A, %shift_right_arithmetic3A_236 : vector<16xi32>
      %add3A_238 = arith.constant 26 : i32
      %add3A_239 = vector.broadcast %add3A_238 : i32 to vector<16xi32>
      %add3A_240 = arith.addi %shift_right_arithmetic3A_237, %add3A_239 : vector<16xi32>
      %mul3A_241 = arith.mulf %sub3A_234, %gather3A_65 : vector<16xf32>
      tpu.vector_store_idx %arg17[%add3A_240], %mul3A_241 {add = true} : memref<80xf32, #tpu.memory_space<vmem>>[vector<16xi32>], vector<16xf32>,
      %get3A_242 = arith.constant 224 : index
      %get3A_243 = tpu.vector_load %arg13[%get3A_242] {strides = array<i32>} : memref<512xf32, #tpu.memory_space<vmem>>, vector<16xf32>,
      %get3A_244 = arith.constant 224 : index
      %get3A_245 = tpu.vector_load %arg14[%get3A_244] {strides = array<i32>} : memref<512xf32, #tpu.memory_space<vmem>>, vector<16xf32>,
      %sub3A_246 = arith.subf %get3A_243, %get3A_245 : vector<16xf32>
      %shift_right_arithmetic3A_247 = arith.constant 3 : i32
      %shift_right_arithmetic3A_248 = vector.broadcast %shift_right_arithmetic3A_247 : i32 to vector<16xi32>
      %shift_right_arithmetic3A_249 = arith.shrsi %iota3A, %shift_right_arithmetic3A_248 : vector<16xi32>
      %add3A_250 = arith.constant 28 : i32
      %add3A_251 = vector.broadcast %add3A_250 : i32 to vector<16xi32>
      %add3A_252 = arith.addi %shift_right_arithmetic3A_249, %add3A_251 : vector<16xi32>
      %mul3A_253 = arith.mulf %sub3A_246, %gather3A_65 : vector<16xf32>
      tpu.vector_store_idx %arg17[%add3A_252], %mul3A_253 {add = true} : memref<80xf32, #tpu.memory_space<vmem>>[vector<16xi32>], vector<16xf32>,
      %get3A_254 = arith.constant 240 : index
      %get3A_255 = tpu.vector_load %arg13[%get3A_254] {strides = array<i32>} : memref<512xf32, #tpu.memory_space<vmem>>, vector<16xf32>,
      %get3A_256 = arith.constant 240 : index
      %get3A_257 = tpu.vector_load %arg14[%get3A_256] {strides = array<i32>} : memref<512xf32, #tpu.memory_space<vmem>>, vector<16xf32>,
      %sub3A_258 = arith.subf %get3A_255, %get3A_257 : vector<16xf32>
      %shift_right_arithmetic3A_259 = arith.constant 3 : i32
      %shift_right_arithmetic3A_260 = vector.broadcast %shift_right_arithmetic3A_259 : i32 to vector<16xi32>
      %shift_right_arithmetic3A_261 = arith.shrsi %iota3A, %shift_right_arithmetic3A_260 : vector<16xi32>
      %add3A_262 = arith.constant 30 : i32
      %add3A_263 = vector.broadcast %add3A_262 : i32 to vector<16xi32>
      %add3A_264 = arith.addi %shift_right_arithmetic3A_261, %add3A_263 : vector<16xi32>
      %mul3A_265 = arith.mulf %sub3A_258, %gather3A_65 : vector<16xf32>
      tpu.vector_store_idx %arg17[%add3A_264], %mul3A_265 {add = true} : memref<80xf32, #tpu.memory_space<vmem>>[vector<16xi32>], vector<16xf32>,
      %get3A_266 = arith.constant 256 : index
      %get3A_267 = tpu.vector_load %arg13[%get3A_266] {strides = array<i32>} : memref<512xf32, #tpu.memory_space<vmem>>, vector<16xf32>,
      %get3A_268 = arith.constant 256 : index
      %get3A_269 = tpu.vector_load %arg14[%get3A_268] {strides = array<i32>} : memref<512xf32, #tpu.memory_space<vmem>>, vector<16xf32>,
      %sub3A_270 = arith.subf %get3A_267, %get3A_269 : vector<16xf32>
      %shift_right_arithmetic3A_271 = arith.constant 3 : i32
      %shift_right_arithmetic3A_272 = vector.broadcast %shift_right_arithmetic3A_271 : i32 to vector<16xi32>
      %shift_right_arithmetic3A_273 = arith.shrsi %iota3A, %shift_right_arithmetic3A_272 : vector<16xi32>
      %add3A_274 = arith.constant 32 : i32
      %add3A_275 = vector.broadcast %add3A_274 : i32 to vector<16xi32>
      %add3A_276 = arith.addi %shift_right_arithmetic3A_273, %add3A_275 : vector<16xi32>
      %mul3A_277 = arith.mulf %sub3A_270, %gather3A_65 : vector<16xf32>
      tpu.vector_store_idx %arg17[%add3A_276], %mul3A_277 {add = true} : memref<80xf32, #tpu.memory_space<vmem>>[vector<16xi32>], vector<16xf32>,
      %get3A_278 = arith.constant 272 : index
      %get3A_279 = tpu.vector_load %arg13[%get3A_278] {strides = array<i32>} : memref<512xf32, #tpu.memory_space<vmem>>, vector<16xf32>,
      %get3A_280 = arith.constant 272 : index
      %get3A_281 = tpu.vector_load %arg14[%get3A_280] {strides = array<i32>} : memref<512xf32, #tpu.memory_space<vmem>>, vector<16xf32>,
      %sub3A_282 = arith.subf %get3A_279, %get3A_281 : vector<16xf32>
      %shift_right_arithmetic3A_283 = arith.constant 3 : i32
      %shift_right_arithmetic3A_284 = vector.broadcast %shift_right_arithmetic3A_283 : i32 to vector<16xi32>
      %shift_right_arithmetic3A_285 = arith.shrsi %iota3A, %shift_right_arithmetic3A_284 : vector<16xi32>
      %add3A_286 = arith.constant 34 : i32
      %add3A_287 = vector.broadcast %add3A_286 : i32 to vector<16xi32>
      %add3A_288 = arith.addi %shift_right_arithmetic3A_285, %add3A_287 : vector<16xi32>
      %mul3A_289 = arith.mulf %sub3A_282, %gather3A_65 : vector<16xf32>
      tpu.vector_store_idx %arg17[%add3A_288], %mul3A_289 {add = true} : memref<80xf32, #tpu.memory_space<vmem>>[vector<16xi32>], vector<16xf32>,
      %get3A_290 = arith.constant 288 : index
      %get3A_291 = tpu.vector_load %arg13[%get3A_290] {strides = array<i32>} : memref<512xf32, #tpu.memory_space<vmem>>, vector<16xf32>,
      %get3A_292 = arith.constant 288 : index
      %get3A_293 = tpu.vector_load %arg14[%get3A_292] {strides = array<i32>} : memref<512xf32, #tpu.memory_space<vmem>>, vector<16xf32>,
      %sub3A_294 = arith.subf %get3A_291, %get3A_293 : vector<16xf32>
      %shift_right_arithmetic3A_295 = arith.constant 3 : i32
      %shift_right_arithmetic3A_296 = vector.broadcast %shift_right_arithmetic3A_295 : i32 to vector<16xi32>
      %shift_right_arithmetic3A_297 = arith.shrsi %iota3A, %shift_right_arithmetic3A_296 : vector<16xi32>
      %add3A_298 = arith.constant 36 : i32
      %add3A_299 = vector.broadcast %add3A_298 : i32 to vector<16xi32>
      %add3A_300 = arith.addi %shift_right_arithmetic3A_297, %add3A_299 : vector<16xi32>
      %mul3A_301 = arith.mulf %sub3A_294, %gather3A_65 : vector<16xf32>
      tpu.vector_store_idx %arg17[%add3A_300], %mul3A_301 {add = true} : memref<80xf32, #tpu.memory_space<vmem>>[vector<16xi32>], vector<16xf32>,
      %get3A_302 = arith.constant 304 : index
      %get3A_303 = tpu.vector_load %arg13[%get3A_302] {strides = array<i32>} : memref<512xf32, #tpu.memory_space<vmem>>, vector<16xf32>,
      %get3A_304 = arith.constant 304 : index
      %get3A_305 = tpu.vector_load %arg14[%get3A_304] {strides = array<i32>} : memref<512xf32, #tpu.memory_space<vmem>>, vector<16xf32>,
      %sub3A_306 = arith.subf %get3A_303, %get3A_305 : vector<16xf32>
      %shift_right_arithmetic3A_307 = arith.constant 3 : i32
      %shift_right_arithmetic3A_308 = vector.broadcast %shift_right_arithmetic3A_307 : i32 to vector<16xi32>
      %shift_right_arithmetic3A_309 = arith.shrsi %iota3A, %shift_right_arithmetic3A_308 : vector<16xi32>
      %add3A_310 = arith.constant 38 : i32
      %add3A_311 = vector.broadcast %add3A_310 : i32 to vector<16xi32>
      %add3A_312 = arith.addi %shift_right_arithmetic3A_309, %add3A_311 : vector<16xi32>
      %mul3A_313 = arith.mulf %sub3A_306, %gather3A_65 : vector<16xf32>
      tpu.vector_store_idx %arg17[%add3A_312], %mul3A_313 {add = true} : memref<80xf32, #tpu.memory_space<vmem>>[vector<16xi32>], vector<16xf32>,
      %get3A_314 = arith.constant 320 : index
      %get3A_315 = tpu.vector_load %arg13[%get3A_314] {strides = array<i32>} : memref<512xf32, #tpu.memory_space<vmem>>, vector<16xf32>,
      %get3A_316 = arith.constant 320 : index
      %get3A_317 = tpu.vector_load %arg14[%get3A_316] {strides = array<i32>} : memref<512xf32, #tpu.memory_space<vmem>>, vector<16xf32>,
      %sub3A_318 = arith.subf %get3A_315, %get3A_317 : vector<16xf32>
      %shift_right_arithmetic3A_319 = arith.constant 3 : i32
      %shift_right_arithmetic3A_320 = vector.broadcast %shift_right_arithmetic3A_319 : i32 to vector<16xi32>
      %shift_right_arithmetic3A_321 = arith.shrsi %iota3A, %shift_right_arithmetic3A_320 : vector<16xi32>
      %add3A_322 = arith.constant 40 : i32
      %add3A_323 = vector.broadcast %add3A_322 : i32 to vector<16xi32>
      %add3A_324 = arith.addi %shift_right_arithmetic3A_321, %add3A_323 : vector<16xi32>
      %mul3A_325 = arith.mulf %sub3A_318, %gather3A_65 : vector<16xf32>
      tpu.vector_store_idx %arg17[%add3A_324], %mul3A_325 {add = true} : memref<80xf32, #tpu.memory_space<vmem>>[vector<16xi32>], vector<16xf32>,
      %get3A_326 = arith.constant 336 : index
      %get3A_327 = tpu.vector_load %arg13[%get3A_326] {strides = array<i32>} : memref<512xf32, #tpu.memory_space<vmem>>, vector<16xf32>,
      %get3A_328 = arith.constant 336 : index
      %get3A_329 = tpu.vector_load %arg14[%get3A_328] {strides = array<i32>} : memref<512xf32, #tpu.memory_space<vmem>>, vector<16xf32>,
      %sub3A_330 = arith.subf %get3A_327, %get3A_329 : vector<16xf32>
      %shift_right_arithmetic3A_331 = arith.constant 3 : i32
      %shift_right_arithmetic3A_332 = vector.broadcast %shift_right_arithmetic3A_331 : i32 to vector<16xi32>
      %shift_right_arithmetic3A_333 = arith.shrsi %iota3A, %shift_right_arithmetic3A_332 : vector<16xi32>
      %add3A_334 = arith.constant 42 : i32
      %add3A_335 = vector.broadcast %add3A_334 : i32 to vector<16xi32>
      %add3A_336 = arith.addi %shift_right_arithmetic3A_333, %add3A_335 : vector<16xi32>
      %mul3A_337 = arith.mulf %sub3A_330, %gather3A_65 : vector<16xf32>
      tpu.vector_store_idx %arg17[%add3A_336], %mul3A_337 {add = true} : memref<80xf32, #tpu.memory_space<vmem>>[vector<16xi32>], vector<16xf32>,
      %get3A_338 = arith.constant 352 : index
      %get3A_339 = tpu.vector_load %arg13[%get3A_338] {strides = array<i32>} : memref<512xf32, #tpu.memory_space<vmem>>, vector<16xf32>,
      %get3A_340 = arith.constant 352 : index
      %get3A_341 = tpu.vector_load %arg14[%get3A_340] {strides = array<i32>} : memref<512xf32, #tpu.memory_space<vmem>>, vector<16xf32>,
      %sub3A_342 = arith.subf %get3A_339, %get3A_341 : vector<16xf32>
      %shift_right_arithmetic3A_343 = arith.constant 3 : i32
      %shift_right_arithmetic3A_344 = vector.broadcast %shift_right_arithmetic3A_343 : i32 to vector<16xi32>
      %shift_right_arithmetic3A_345 = arith.shrsi %iota3A, %shift_right_arithmetic3A_344 : vector<16xi32>
      %add3A_346 = arith.constant 44 : i32
      %add3A_347 = vector.broadcast %add3A_346 : i32 to vector<16xi32>
      %add3A_348 = arith.addi %shift_right_arithmetic3A_345, %add3A_347 : vector<16xi32>
      %mul3A_349 = arith.mulf %sub3A_342, %gather3A_65 : vector<16xf32>
      tpu.vector_store_idx %arg17[%add3A_348], %mul3A_349 {add = true} : memref<80xf32, #tpu.memory_space<vmem>>[vector<16xi32>], vector<16xf32>,
      %get3A_350 = arith.constant 368 : index
      %get3A_351 = tpu.vector_load %arg13[%get3A_350] {strides = array<i32>} : memref<512xf32, #tpu.memory_space<vmem>>, vector<16xf32>,
      %get3A_352 = arith.constant 368 : index
      %get3A_353 = tpu.vector_load %arg14[%get3A_352] {strides = array<i32>} : memref<512xf32, #tpu.memory_space<vmem>>, vector<16xf32>,
      %sub3A_354 = arith.subf %get3A_351, %get3A_353 : vector<16xf32>
      %shift_right_arithmetic3A_355 = arith.constant 3 : i32
      %shift_right_arithmetic3A_356 = vector.broadcast %shift_right_arithmetic3A_355 : i32 to vector<16xi32>
      %shift_right_arithmetic3A_357 = arith.shrsi %iota3A, %shift_right_arithmetic3A_356 : vector<16xi32>
      %add3A_358 = arith.constant 46 : i32
      %add3A_359 = vector.broadcast %add3A_358 : i32 to vector<16xi32>
      %add3A_360 = arith.addi %shift_right_arithmetic3A_357, %add3A_359 : vector<16xi32>
      %mul3A_361 = arith.mulf %sub3A_354, %gather3A_65 : vector<16xf32>
      tpu.vector_store_idx %arg17[%add3A_360], %mul3A_361 {add = true} : memref<80xf32, #tpu.memory_space<vmem>>[vector<16xi32>], vector<16xf32>,
      %get3A_362 = arith.constant 384 : index
      %get3A_363 = tpu.vector_load %arg13[%get3A_362] {strides = array<i32>} : memref<512xf32, #tpu.memory_space<vmem>>, vector<16xf32>,
      %get3A_364 = arith.constant 384 : index
      %get3A_365 = tpu.vector_load %arg14[%get3A_364] {strides = array<i32>} : memref<512xf32, #tpu.memory_space<vmem>>, vector<16xf32>,
      %sub3A_366 = arith.subf %get3A_363, %get3A_365 : vector<16xf32>
      %shift_right_arithmetic3A_367 = arith.constant 3 : i32
      %shift_right_arithmetic3A_368 = vector.broadcast %shift_right_arithmetic3A_367 : i32 to vector<16xi32>
      %shift_right_arithmetic3A_369 = arith.shrsi %iota3A, %shift_right_arithmetic3A_368 : vector<16xi32>
      %add3A_370 = arith.constant 48 : i32
      %add3A_371 = vector.broadcast %add3A_370 : i32 to vector<16xi32>
      %add3A_372 = arith.addi %shift_right_arithmetic3A_369, %add3A_371 : vector<16xi32>
      %mul3A_373 = arith.mulf %sub3A_366, %gather3A_65 : vector<16xf32>
      tpu.vector_store_idx %arg17[%add3A_372], %mul3A_373 {add = true} : memref<80xf32, #tpu.memory_space<vmem>>[vector<16xi32>], vector<16xf32>,
      %get3A_374 = arith.constant 400 : index
      %get3A_375 = tpu.vector_load %arg13[%get3A_374] {strides = array<i32>} : memref<512xf32, #tpu.memory_space<vmem>>, vector<16xf32>,
      %get3A_376 = arith.constant 400 : index
      %get3A_377 = tpu.vector_load %arg14[%get3A_376] {strides = array<i32>} : memref<512xf32, #tpu.memory_space<vmem>>, vector<16xf32>,
      %sub3A_378 = arith.subf %get3A_375, %get3A_377 : vector<16xf32>
      %shift_right_arithmetic3A_379 = arith.constant 3 : i32
      %shift_right_arithmetic3A_380 = vector.broadcast %shift_right_arithmetic3A_379 : i32 to vector<16xi32>
      %shift_right_arithmetic3A_381 = arith.shrsi %iota3A, %shift_right_arithmetic3A_380 : vector<16xi32>
      %add3A_382 = arith.constant 50 : i32
      %add3A_383 = vector.broadcast %add3A_382 : i32 to vector<16xi32>
      %add3A_384 = arith.addi %shift_right_arithmetic3A_381, %add3A_383 : vector<16xi32>
      %mul3A_385 = arith.mulf %sub3A_378, %gather3A_65 : vector<16xf32>
      tpu.vector_store_idx %arg17[%add3A_384], %mul3A_385 {add = true} : memref<80xf32, #tpu.memory_space<vmem>>[vector<16xi32>], vector<16xf32>,
      %get3A_386 = arith.constant 416 : index
      %get3A_387 = tpu.vector_load %arg13[%get3A_386] {strides = array<i32>} : memref<512xf32, #tpu.memory_space<vmem>>, vector<16xf32>,
      %get3A_388 = arith.constant 416 : index
      %get3A_389 = tpu.vector_load %arg14[%get3A_388] {strides = array<i32>} : memref<512xf32, #tpu.memory_space<vmem>>, vector<16xf32>,
      %sub3A_390 = arith.subf %get3A_387, %get3A_389 : vector<16xf32>
      %shift_right_arithmetic3A_391 = arith.constant 3 : i32
      %shift_right_arithmetic3A_392 = vector.broadcast %shift_right_arithmetic3A_391 : i32 to vector<16xi32>
      %shift_right_arithmetic3A_393 = arith.shrsi %iota3A, %shift_right_arithmetic3A_392 : vector<16xi32>
      %add3A_394 = arith.constant 52 : i32
      %add3A_395 = vector.broadcast %add3A_394 : i32 to vector<16xi32>
      %add3A_396 = arith.addi %shift_right_arithmetic3A_393, %add3A_395 : vector<16xi32>
      %mul3A_397 = arith.mulf %sub3A_390, %gather3A_65 : vector<16xf32>
      tpu.vector_store_idx %arg17[%add3A_396], %mul3A_397 {add = true} : memref<80xf32, #tpu.memory_space<vmem>>[vector<16xi32>], vector<16xf32>,
      %get3A_398 = arith.constant 432 : index
      %get3A_399 = tpu.vector_load %arg13[%get3A_398] {strides = array<i32>} : memref<512xf32, #tpu.memory_space<vmem>>, vector<16xf32>,
      %get3A_400 = arith.constant 432 : index
      %get3A_401 = tpu.vector_load %arg14[%get3A_400] {strides = array<i32>} : memref<512xf32, #tpu.memory_space<vmem>>, vector<16xf32>,
      %sub3A_402 = arith.subf %get3A_399, %get3A_401 : vector<16xf32>
      %shift_right_arithmetic3A_403 = arith.constant 3 : i32
      %shift_right_arithmetic3A_404 = vector.broadcast %shift_right_arithmetic3A_403 : i32 to vector<16xi32>
      %shift_right_arithmetic3A_405 = arith.shrsi %iota3A, %shift_right_arithmetic3A_404 : vector<16xi32>
      %add3A_406 = arith.constant 54 : i32
      %add3A_407 = vector.broadcast %add3A_406 : i32 to vector<16xi32>
      %add3A_408 = arith.addi %shift_right_arithmetic3A_405, %add3A_407 : vector<16xi32>
      %mul3A_409 = arith.mulf %sub3A_402, %gather3A_65 : vector<16xf32>
      tpu.vector_store_idx %arg17[%add3A_408], %mul3A_409 {add = true} : memref<80xf32, #tpu.memory_space<vmem>>[vector<16xi32>], vector<16xf32>,
      %get3A_410 = arith.constant 448 : index
      %get3A_411 = tpu.vector_load %arg13[%get3A_410] {strides = array<i32>} : memref<512xf32, #tpu.memory_space<vmem>>, vector<16xf32>,
      %get3A_412 = arith.constant 448 : index
      %get3A_413 = tpu.vector_load %arg14[%get3A_412] {strides = array<i32>} : memref<512xf32, #tpu.memory_space<vmem>>, vector<16xf32>,
      %sub3A_414 = arith.subf %get3A_411, %get3A_413 : vector<16xf32>
      %shift_right_arithmetic3A_415 = arith.constant 3 : i32
      %shift_right_arithmetic3A_416 = vector.broadcast %shift_right_arithmetic3A_415 : i32 to vector<16xi32>
      %shift_right_arithmetic3A_417 = arith.shrsi %iota3A, %shift_right_arithmetic3A_416 : vector<16xi32>
      %add3A_418 = arith.constant 56 : i32
      %add3A_419 = vector.broadcast %add3A_418 : i32 to vector<16xi32>
      %add3A_420 = arith.addi %shift_right_arithmetic3A_417, %add3A_419 : vector<16xi32>
      %mul3A_421 = arith.mulf %sub3A_414, %gather3A_65 : vector<16xf32>
      tpu.vector_store_idx %arg17[%add3A_420], %mul3A_421 {add = true} : memref<80xf32, #tpu.memory_space<vmem>>[vector<16xi32>], vector<16xf32>,
      %get3A_422 = arith.constant 464 : index
      %get3A_423 = tpu.vector_load %arg13[%get3A_422] {strides = array<i32>} : memref<512xf32, #tpu.memory_space<vmem>>, vector<16xf32>,
      %get3A_424 = arith.constant 464 : index
      %get3A_425 = tpu.vector_load %arg14[%get3A_424] {strides = array<i32>} : memref<512xf32, #tpu.memory_space<vmem>>, vector<16xf32>,
      %sub3A_426 = arith.subf %get3A_423, %get3A_425 : vector<16xf32>
      %shift_right_arithmetic3A_427 = arith.constant 3 : i32
      %shift_right_arithmetic3A_428 = vector.broadcast %shift_right_arithmetic3A_427 : i32 to vector<16xi32>
      %shift_right_arithmetic3A_429 = arith.shrsi %iota3A, %shift_right_arithmetic3A_428 : vector<16xi32>
      %add3A_430 = arith.constant 58 : i32
      %add3A_431 = vector.broadcast %add3A_430 : i32 to vector<16xi32>
      %add3A_432 = arith.addi %shift_right_arithmetic3A_429, %add3A_431 : vector<16xi32>
      %mul3A_433 = arith.mulf %sub3A_426, %gather3A_65 : vector<16xf32>
      tpu.vector_store_idx %arg17[%add3A_432], %mul3A_433 {add = true} : memref<80xf32, #tpu.memory_space<vmem>>[vector<16xi32>], vector<16xf32>,
      %get3A_434 = arith.constant 480 : index
      %get3A_435 = tpu.vector_load %arg13[%get3A_434] {strides = array<i32>} : memref<512xf32, #tpu.memory_space<vmem>>, vector<16xf32>,
      %get3A_436 = arith.constant 480 : index
      %get3A_437 = tpu.vector_load %arg14[%get3A_436] {strides = array<i32>} : memref<512xf32, #tpu.memory_space<vmem>>, vector<16xf32>,
      %sub3A_438 = arith.subf %get3A_435, %get3A_437 : vector<16xf32>
      %shift_right_arithmetic3A_439 = arith.constant 3 : i32
      %shift_right_arithmetic3A_440 = vector.broadcast %shift_right_arithmetic3A_439 : i32 to vector<16xi32>
      %shift_right_arithmetic3A_441 = arith.shrsi %iota3A, %shift_right_arithmetic3A_440 : vector<16xi32>
      %add3A_442 = arith.constant 60 : i32
      %add3A_443 = vector.broadcast %add3A_442 : i32 to vector<16xi32>
      %add3A_444 = arith.addi %shift_right_arithmetic3A_441, %add3A_443 : vector<16xi32>
      %mul3A_445 = arith.mulf %sub3A_438, %gather3A_65 : vector<16xf32>
      tpu.vector_store_idx %arg17[%add3A_444], %mul3A_445 {add = true} : memref<80xf32, #tpu.memory_space<vmem>>[vector<16xi32>], vector<16xf32>,
      %get3A_446 = arith.constant 496 : index
      %get3A_447 = tpu.vector_load %arg13[%get3A_446] {strides = array<i32>} : memref<512xf32, #tpu.memory_space<vmem>>, vector<16xf32>,
      %get3A_448 = arith.constant 496 : index
      %get3A_449 = tpu.vector_load %arg14[%get3A_448] {strides = array<i32>} : memref<512xf32, #tpu.memory_space<vmem>>, vector<16xf32>,
      %sub3A_450 = arith.subf %get3A_447, %get3A_449 : vector<16xf32>
      %shift_right_arithmetic3A_451 = arith.constant 3 : i32
      %shift_right_arithmetic3A_452 = vector.broadcast %shift_right_arithmetic3A_451 : i32 to vector<16xi32>
      %shift_right_arithmetic3A_453 = arith.shrsi %iota3A, %shift_right_arithmetic3A_452 : vector<16xi32>
      %add3A_454 = arith.constant 62 : i32
      %add3A_455 = vector.broadcast %add3A_454 : i32 to vector<16xi32>
      %add3A_456 = arith.addi %shift_right_arithmetic3A_453, %add3A_455 : vector<16xi32>
      %mul3A_457 = arith.mulf %sub3A_450, %gather3A_65 : vector<16xf32>
      tpu.vector_store_idx %arg17[%add3A_456], %mul3A_457 {add = true} : memref<80xf32, #tpu.memory_space<vmem>>[vector<16xi32>], vector<16xf32>,
      %get3A_458 = arith.constant 0 : index
      %get3A_459 = tpu.vector_load %arg16[%get3A_458] {strides = array<i32>} : memref<16xf32, #tpu.memory_space<vmem>>, vector<16xf32>,
      %broadcast_in_dim3A_460 = arith.constant 0 : i32
      %broadcast_in_dim3A_461 = vector.broadcast %broadcast_in_dim3A_460 : i32 to vector<16xi32>
      %lt3A_462 = arith.constant 0 : i32
      %lt3A_463 = vector.broadcast %lt3A_462 : i32 to vector<16xi32>
      %lt3A_464 = arith.cmpi slt, %broadcast_in_dim3A_461, %lt3A_463 : vector<16xi32>
      %add3A_465 = arith.constant 16 : i32
      %add3A_466 = vector.broadcast %add3A_465 : i32 to vector<16xi32>
      %add3A_467 = arith.addi %broadcast_in_dim3A_461, %add3A_466 : vector<16xi32>
      %select_n3A_468 = arith.select %lt3A_464, %add3A_467, %broadcast_in_dim3A_461 : vector<16xi1>, vector<16xi32>
      %broadcast_in_dim3A_469 = vector.shape_cast %select_n3A_468 : vector<16xi32> to vector<16x1xi32>
      %gather3A_470 = vector.shape_cast %broadcast_in_dim3A_469 : vector<16x1xi32> to vector<16xi32>
      %gather3A_471 = tpu.dynamic_gather %get3A_459[%gather3A_470] in [0] : vector<16xf32>, vector<16xi32> -> vector<16xf32>
      %get3A_472 = arith.constant 0 : index
      %get3A_473 = tpu.vector_load %arg17[%get3A_472] {strides = array<i32>} : memref<80xf32, #tpu.memory_space<vmem>>, vector<16xf32>,
      %add3A_474 = arith.addf %get3A_473, %gather3A_471 : vector<16xf32>
      %swap3A_475 = arith.constant 0 : index
      %swap3A_476 = tpu.vector_load %arg17[%swap3A_475] {strides = array<i32>} : memref<80xf32, #tpu.memory_space<vmem>>, vector<16xf32>,
      tpu.vector_store %arg17[%swap3A_475], %add3A_474 {strides = array<i32>} : memref<80xf32, #tpu.memory_space<vmem>>, vector<16xf32>,
      %get3A_477 = arith.constant 16 : index
      %get3A_478 = tpu.vector_load %arg17[%get3A_477] {strides = array<i32>} : memref<80xf32, #tpu.memory_space<vmem>>, vector<16xf32>,
      %add3A_479 = arith.addf %get3A_478, %gather3A_471 : vector<16xf32>
      %swap3A_480 = arith.constant 16 : index
      %swap3A_481 = tpu.vector_load %arg17[%swap3A_480] {strides = array<i32>} : memref<80xf32, #tpu.memory_space<vmem>>, vector<16xf32>,
      tpu.vector_store %arg17[%swap3A_480], %add3A_479 {strides = array<i32>} : memref<80xf32, #tpu.memory_space<vmem>>, vector<16xf32>,
      %get3A_482 = arith.constant 32 : index
      %get3A_483 = tpu.vector_load %arg17[%get3A_482] {strides = array<i32>} : memref<80xf32, #tpu.memory_space<vmem>>, vector<16xf32>,
      %add3A_484 = arith.addf %get3A_483, %gather3A_471 : vector<16xf32>
      %swap3A_485 = arith.constant 32 : index
      %swap3A_486 = tpu.vector_load %arg17[%swap3A_485] {strides = array<i32>} : memref<80xf32, #tpu.memory_space<vmem>>, vector<16xf32>,
      tpu.vector_store %arg17[%swap3A_485], %add3A_484 {strides = array<i32>} : memref<80xf32, #tpu.memory_space<vmem>>, vector<16xf32>,
      %get3A_487 = arith.constant 48 : index
      %get3A_488 = tpu.vector_load %arg17[%get3A_487] {strides = array<i32>} : memref<80xf32, #tpu.memory_space<vmem>>, vector<16xf32>,
      %add3A_489 = arith.addf %get3A_488, %gather3A_471 : vector<16xf32>
      %swap3A_490 = arith.constant 48 : index
      %swap3A_491 = tpu.vector_load %arg17[%swap3A_490] {strides = array<i32>} : memref<80xf32, #tpu.memory_space<vmem>>, vector<16xf32>,
      tpu.vector_store %arg17[%swap3A_490], %add3A_489 {strides = array<i32>} : memref<80xf32, #tpu.memory_space<vmem>>, vector<16xf32>,
      "tpu.region"() ({
        %run_scoped3A = tpu.sem_alloc : memref<!tpu.dma_semaphore, #tpu.memory_space<semaphore_mem>>
        tpu.enqueue_dma source(%arg17 : memref<80xf32, #tpu.memory_space<vmem>>) target(%arg20 : memref<80xf32, #tpu.memory_space<vmem_shared>>) target_semaphore(%run_scoped3A : memref<!tpu.dma_semaphore, #tpu.memory_space<semaphore_mem>>)
        tpu.wait_dma2 semaphore(%run_scoped3A : memref<!tpu.dma_semaphore, #tpu.memory_space<semaphore_mem>>) src(%arg17 : memref<80xf32, #tpu.memory_space<vmem>>) dst(%arg20 : memref<80xf32, #tpu.memory_space<vmem_shared>>)
        tpu.yield
      }) : () -> ()
    } else {
    }
    %mul3A_46 = arith.constant 80 : i32
    %mul3A_47 = arith.muli %arg1, %mul3A_46 : i32
    "tpu.region"() ({
      %run_scoped3A = tpu.sem_alloc : memref<!tpu.dma_semaphore, #tpu.memory_space<semaphore_mem>>
      %dma_start3A = tpu.memref_slice %arg18[%mul3A_47] : memref<1280xf32, #tpu.memory_space<vmem_shared>> -> memref<80xf32, #tpu.memory_space<vmem_shared>>
      %dma_start3A_55 = tpu.memref_slice %arg18[%mul3A_47] : memref<1280xf32, #tpu.memory_space<vmem_shared>> -> memref<80xf32, #tpu.memory_space<vmem_shared>>
      tpu.enqueue_dma source(%arg11 : memref<80xf32, #tpu.memory_space<vmem>>) target(%dma_start3A_55 : memref<80xf32, #tpu.memory_space<vmem_shared>>) target_semaphore(%run_scoped3A : memref<!tpu.dma_semaphore, #tpu.memory_space<semaphore_mem>>)
      %dma_wait3A = tpu.memref_slice %arg18[%mul3A_47] : memref<1280xf32, #tpu.memory_space<vmem_shared>> -> memref<80xf32, #tpu.memory_space<vmem_shared>>
      %dma_wait3A_56 = tpu.memref_slice %arg18[%mul3A_47] : memref<1280xf32, #tpu.memory_space<vmem_shared>> -> memref<80xf32, #tpu.memory_space<vmem_shared>>
      tpu.wait_dma2 semaphore(%run_scoped3A : memref<!tpu.dma_semaphore, #tpu.memory_space<semaphore_mem>>) src(%arg11 : memref<80xf32, #tpu.memory_space<vmem>>) dst(%dma_wait3A_56 : memref<80xf32, #tpu.memory_space<vmem_shared>>)
      tpu.yield
    }) : () -> ()
    %mul3A_48 = arith.constant 80 : i32
    %mul3A_49 = arith.muli %arg1, %mul3A_48 : i32
    "tpu.region"() ({
      %run_scoped3A = tpu.sem_alloc : memref<!tpu.dma_semaphore, #tpu.memory_space<semaphore_mem>>
      %dma_start3A = tpu.memref_slice %arg19[%mul3A_49] : memref<1280xf32, #tpu.memory_space<vmem_shared>> -> memref<80xf32, #tpu.memory_space<vmem_shared>>
      %dma_start3A_55 = tpu.memref_slice %arg19[%mul3A_49] : memref<1280xf32, #tpu.memory_space<vmem_shared>> -> memref<80xf32, #tpu.memory_space<vmem_shared>>
      tpu.enqueue_dma source(%arg12 : memref<80xf32, #tpu.memory_space<vmem>>) target(%dma_start3A_55 : memref<80xf32, #tpu.memory_space<vmem_shared>>) target_semaphore(%run_scoped3A : memref<!tpu.dma_semaphore, #tpu.memory_space<semaphore_mem>>)
      %dma_wait3A = tpu.memref_slice %arg19[%mul3A_49] : memref<1280xf32, #tpu.memory_space<vmem_shared>> -> memref<80xf32, #tpu.memory_space<vmem_shared>>
      %dma_wait3A_56 = tpu.memref_slice %arg19[%mul3A_49] : memref<1280xf32, #tpu.memory_space<vmem_shared>> -> memref<80xf32, #tpu.memory_space<vmem_shared>>
      tpu.wait_dma2 semaphore(%run_scoped3A : memref<!tpu.dma_semaphore, #tpu.memory_space<semaphore_mem>>) src(%arg12 : memref<80xf32, #tpu.memory_space<vmem>>) dst(%dma_wait3A_56 : memref<80xf32, #tpu.memory_space<vmem_shared>>)
      tpu.yield
    }) : () -> ()
    %barrier3A = arith.constant 0 : index
    tpu.barrier barrier_id(%barrier3A)
    %eq3A_50 = arith.constant 0 : i32
    %eq3A_51 = arith.cmpi eq, %arg1, %eq3A_50 : i32
    %convert_element_type3A_52 = arith.extui %eq3A_51 : i1 to i32
    %cond3A_53 = arith.constant 0 : i32
    %cond3A_54 = arith.cmpi ne, %convert_element_type3A_52, %cond3A_53 : i32
    scf.if %cond3A_54 {
      "tpu.region"() ({
        %run_scoped3A = tpu.sem_alloc : memref<!tpu.dma_semaphore, #tpu.memory_space<semaphore_mem>>
        tpu.enqueue_dma source(%arg18 : memref<1280xf32, #tpu.memory_space<vmem_shared>>) target(%arg21 : memref<1280xf32, #tpu.memory_space<vmem>>) target_semaphore(%run_scoped3A : memref<!tpu.dma_semaphore, #tpu.memory_space<semaphore_mem>>)
        tpu.wait_dma2 semaphore(%run_scoped3A : memref<!tpu.dma_semaphore, #tpu.memory_space<semaphore_mem>>) src(%arg18 : memref<1280xf32, #tpu.memory_space<vmem_shared>>) dst(%arg21 : memref<1280xf32, #tpu.memory_space<vmem>>)
        tpu.yield
      }) : () -> ()
      "tpu.region"() ({
        %run_scoped3A = tpu.sem_alloc : memref<!tpu.dma_semaphore, #tpu.memory_space<semaphore_mem>>
        tpu.enqueue_dma source(%arg19 : memref<1280xf32, #tpu.memory_space<vmem_shared>>) target(%arg22 : memref<1280xf32, #tpu.memory_space<vmem>>) target_semaphore(%run_scoped3A : memref<!tpu.dma_semaphore, #tpu.memory_space<semaphore_mem>>)
        tpu.wait_dma2 semaphore(%run_scoped3A : memref<!tpu.dma_semaphore, #tpu.memory_space<semaphore_mem>>) src(%arg19 : memref<1280xf32, #tpu.memory_space<vmem_shared>>) dst(%arg22 : memref<1280xf32, #tpu.memory_space<vmem>>)
        tpu.yield
      }) : () -> ()
      "tpu.region"() ({
        %run_scoped3A = tpu.sem_alloc : memref<!tpu.dma_semaphore, #tpu.memory_space<semaphore_mem>>
        tpu.enqueue_dma source(%arg20 : memref<80xf32, #tpu.memory_space<vmem_shared>>) target(%arg23 : memref<80xf32, #tpu.memory_space<vmem>>) target_semaphore(%run_scoped3A : memref<!tpu.dma_semaphore, #tpu.memory_space<semaphore_mem>>)
        tpu.wait_dma2 semaphore(%run_scoped3A : memref<!tpu.dma_semaphore, #tpu.memory_space<semaphore_mem>>) src(%arg20 : memref<80xf32, #tpu.memory_space<vmem_shared>>) dst(%arg23 : memref<80xf32, #tpu.memory_space<vmem>>)
        tpu.yield
      }) : () -> ()
      %broadcast_in_dim3A_55 = arith.constant 0.000000e+00 : f32
      %broadcast_in_dim3A_56 = vector.broadcast %broadcast_in_dim3A_55 : f32 to vector<16xf32>
      %broadcast_in_dim3A_57 = arith.constant 0.000000e+00 : f32
      %broadcast_in_dim3A_58 = vector.broadcast %broadcast_in_dim3A_57 : f32 to vector<16xf32>
      %get3A = arith.constant 0 : index
      %get3A_59 = tpu.vector_load %arg21[%get3A] {strides = array<i32>} : memref<1280xf32, #tpu.memory_space<vmem>>, vector<16xf32>,
      %add3A = arith.addf %broadcast_in_dim3A_56, %get3A_59 : vector<16xf32>
      %get3A_60 = arith.constant 0 : index
      %get3A_61 = tpu.vector_load %arg22[%get3A_60] {strides = array<i32>} : memref<1280xf32, #tpu.memory_space<vmem>>, vector<16xf32>,
      %add3A_62 = arith.addf %broadcast_in_dim3A_58, %get3A_61 : vector<16xf32>
      %get3A_63 = arith.constant 80 : index
      %get3A_64 = tpu.vector_load %arg21[%get3A_63] {strides = array<i32>} : memref<1280xf32, #tpu.memory_space<vmem>>, vector<16xf32>,
      %add3A_65 = arith.addf %add3A, %get3A_64 : vector<16xf32>
      %get3A_66 = arith.constant 80 : index
      %get3A_67 = tpu.vector_load %arg22[%get3A_66] {strides = array<i32>} : memref<1280xf32, #tpu.memory_space<vmem>>, vector<16xf32>,
      %add3A_68 = arith.addf %add3A_62, %get3A_67 : vector<16xf32>
      %get3A_69 = arith.constant 160 : index
      %get3A_70 = tpu.vector_load %arg21[%get3A_69] {strides = array<i32>} : memref<1280xf32, #tpu.memory_space<vmem>>, vector<16xf32>,
      %add3A_71 = arith.addf %add3A_65, %get3A_70 : vector<16xf32>
      %get3A_72 = arith.constant 160 : index
      %get3A_73 = tpu.vector_load %arg22[%get3A_72] {strides = array<i32>} : memref<1280xf32, #tpu.memory_space<vmem>>, vector<16xf32>,
      %add3A_74 = arith.addf %add3A_68, %get3A_73 : vector<16xf32>
      %get3A_75 = arith.constant 240 : index
      %get3A_76 = tpu.vector_load %arg21[%get3A_75] {strides = array<i32>} : memref<1280xf32, #tpu.memory_space<vmem>>, vector<16xf32>,
      %add3A_77 = arith.addf %add3A_71, %get3A_76 : vector<16xf32>
      %get3A_78 = arith.constant 240 : index
      %get3A_79 = tpu.vector_load %arg22[%get3A_78] {strides = array<i32>} : memref<1280xf32, #tpu.memory_space<vmem>>, vector<16xf32>,
      %add3A_80 = arith.addf %add3A_74, %get3A_79 : vector<16xf32>
      %get3A_81 = arith.constant 320 : index
      %get3A_82 = tpu.vector_load %arg21[%get3A_81] {strides = array<i32>} : memref<1280xf32, #tpu.memory_space<vmem>>, vector<16xf32>,
      %add3A_83 = arith.addf %add3A_77, %get3A_82 : vector<16xf32>
      %get3A_84 = arith.constant 320 : index
      %get3A_85 = tpu.vector_load %arg22[%get3A_84] {strides = array<i32>} : memref<1280xf32, #tpu.memory_space<vmem>>, vector<16xf32>,
      %add3A_86 = arith.addf %add3A_80, %get3A_85 : vector<16xf32>
      %get3A_87 = arith.constant 400 : index
      %get3A_88 = tpu.vector_load %arg21[%get3A_87] {strides = array<i32>} : memref<1280xf32, #tpu.memory_space<vmem>>, vector<16xf32>,
      %add3A_89 = arith.addf %add3A_83, %get3A_88 : vector<16xf32>
      %get3A_90 = arith.constant 400 : index
      %get3A_91 = tpu.vector_load %arg22[%get3A_90] {strides = array<i32>} : memref<1280xf32, #tpu.memory_space<vmem>>, vector<16xf32>,
      %add3A_92 = arith.addf %add3A_86, %get3A_91 : vector<16xf32>
      %get3A_93 = arith.constant 480 : index
      %get3A_94 = tpu.vector_load %arg21[%get3A_93] {strides = array<i32>} : memref<1280xf32, #tpu.memory_space<vmem>>, vector<16xf32>,
      %add3A_95 = arith.addf %add3A_89, %get3A_94 : vector<16xf32>
      %get3A_96 = arith.constant 480 : index
      %get3A_97 = tpu.vector_load %arg22[%get3A_96] {strides = array<i32>} : memref<1280xf32, #tpu.memory_space<vmem>>, vector<16xf32>,
      %add3A_98 = arith.addf %add3A_92, %get3A_97 : vector<16xf32>
      %get3A_99 = arith.constant 560 : index
      %get3A_100 = tpu.vector_load %arg21[%get3A_99] {strides = array<i32>} : memref<1280xf32, #tpu.memory_space<vmem>>, vector<16xf32>,
      %add3A_101 = arith.addf %add3A_95, %get3A_100 : vector<16xf32>
      %get3A_102 = arith.constant 560 : index
      %get3A_103 = tpu.vector_load %arg22[%get3A_102] {strides = array<i32>} : memref<1280xf32, #tpu.memory_space<vmem>>, vector<16xf32>,
      %add3A_104 = arith.addf %add3A_98, %get3A_103 : vector<16xf32>
      %get3A_105 = arith.constant 640 : index
      %get3A_106 = tpu.vector_load %arg21[%get3A_105] {strides = array<i32>} : memref<1280xf32, #tpu.memory_space<vmem>>, vector<16xf32>,
      %add3A_107 = arith.addf %add3A_101, %get3A_106 : vector<16xf32>
      %get3A_108 = arith.constant 640 : index
      %get3A_109 = tpu.vector_load %arg22[%get3A_108] {strides = array<i32>} : memref<1280xf32, #tpu.memory_space<vmem>>, vector<16xf32>,
      %add3A_110 = arith.addf %add3A_104, %get3A_109 : vector<16xf32>
      %get3A_111 = arith.constant 720 : index
      %get3A_112 = tpu.vector_load %arg21[%get3A_111] {strides = array<i32>} : memref<1280xf32, #tpu.memory_space<vmem>>, vector<16xf32>,
      %add3A_113 = arith.addf %add3A_107, %get3A_112 : vector<16xf32>
      %get3A_114 = arith.constant 720 : index
      %get3A_115 = tpu.vector_load %arg22[%get3A_114] {strides = array<i32>} : memref<1280xf32, #tpu.memory_space<vmem>>, vector<16xf32>,
      %add3A_116 = arith.addf %add3A_110, %get3A_115 : vector<16xf32>
      %get3A_117 = arith.constant 800 : index
      %get3A_118 = tpu.vector_load %arg21[%get3A_117] {strides = array<i32>} : memref<1280xf32, #tpu.memory_space<vmem>>, vector<16xf32>,
      %add3A_119 = arith.addf %add3A_113, %get3A_118 : vector<16xf32>
      %get3A_120 = arith.constant 800 : index
      %get3A_121 = tpu.vector_load %arg22[%get3A_120] {strides = array<i32>} : memref<1280xf32, #tpu.memory_space<vmem>>, vector<16xf32>,
      %add3A_122 = arith.addf %add3A_116, %get3A_121 : vector<16xf32>
      %get3A_123 = arith.constant 880 : index
      %get3A_124 = tpu.vector_load %arg21[%get3A_123] {strides = array<i32>} : memref<1280xf32, #tpu.memory_space<vmem>>, vector<16xf32>,
      %add3A_125 = arith.addf %add3A_119, %get3A_124 : vector<16xf32>
      %get3A_126 = arith.constant 880 : index
      %get3A_127 = tpu.vector_load %arg22[%get3A_126] {strides = array<i32>} : memref<1280xf32, #tpu.memory_space<vmem>>, vector<16xf32>,
      %add3A_128 = arith.addf %add3A_122, %get3A_127 : vector<16xf32>
      %get3A_129 = arith.constant 960 : index
      %get3A_130 = tpu.vector_load %arg21[%get3A_129] {strides = array<i32>} : memref<1280xf32, #tpu.memory_space<vmem>>, vector<16xf32>,
      %add3A_131 = arith.addf %add3A_125, %get3A_130 : vector<16xf32>
      %get3A_132 = arith.constant 960 : index
      %get3A_133 = tpu.vector_load %arg22[%get3A_132] {strides = array<i32>} : memref<1280xf32, #tpu.memory_space<vmem>>, vector<16xf32>,
      %add3A_134 = arith.addf %add3A_128, %get3A_133 : vector<16xf32>
      %get3A_135 = arith.constant 1040 : index
      %get3A_136 = tpu.vector_load %arg21[%get3A_135] {strides = array<i32>} : memref<1280xf32, #tpu.memory_space<vmem>>, vector<16xf32>,
      %add3A_137 = arith.addf %add3A_131, %get3A_136 : vector<16xf32>
      %get3A_138 = arith.constant 1040 : index
      %get3A_139 = tpu.vector_load %arg22[%get3A_138] {strides = array<i32>} : memref<1280xf32, #tpu.memory_space<vmem>>, vector<16xf32>,
      %add3A_140 = arith.addf %add3A_134, %get3A_139 : vector<16xf32>
      %get3A_141 = arith.constant 1120 : index
      %get3A_142 = tpu.vector_load %arg21[%get3A_141] {strides = array<i32>} : memref<1280xf32, #tpu.memory_space<vmem>>, vector<16xf32>,
      %add3A_143 = arith.addf %add3A_137, %get3A_142 : vector<16xf32>
      %get3A_144 = arith.constant 1120 : index
      %get3A_145 = tpu.vector_load %arg22[%get3A_144] {strides = array<i32>} : memref<1280xf32, #tpu.memory_space<vmem>>, vector<16xf32>,
      %add3A_146 = arith.addf %add3A_140, %get3A_145 : vector<16xf32>
      %get3A_147 = arith.constant 1200 : index
      %get3A_148 = tpu.vector_load %arg21[%get3A_147] {strides = array<i32>} : memref<1280xf32, #tpu.memory_space<vmem>>, vector<16xf32>,
      %add3A_149 = arith.addf %add3A_143, %get3A_148 : vector<16xf32>
      %get3A_150 = arith.constant 1200 : index
      %get3A_151 = tpu.vector_load %arg22[%get3A_150] {strides = array<i32>} : memref<1280xf32, #tpu.memory_space<vmem>>, vector<16xf32>,
      %add3A_152 = arith.addf %add3A_146, %get3A_151 : vector<16xf32>
      %max3A = arith.constant 1.000000e+00 : f32
      %max3A_153 = vector.broadcast %max3A : f32 to vector<16xf32>
      %max3A_154 = arith.maximumf %add3A_152, %max3A_153 : vector<16xf32>
      %div3A = arith.divf %add3A_149, %max3A_154 : vector<16xf32>
      %get3A_155 = arith.constant 0 : index
      %get3A_156 = tpu.vector_load %arg23[%get3A_155] {strides = array<i32>} : memref<80xf32, #tpu.memory_space<vmem>>, vector<16xf32>,
      %add3A_157 = arith.addf %div3A, %get3A_156 : vector<16xf32>
      %swap3A_158 = arith.constant 0 : index
      %swap3A_159 = tpu.vector_load %arg24[%swap3A_158] {strides = array<i32>} : memref<64xf32, #tpu.memory_space<vmem>>, vector<16xf32>,
      tpu.vector_store %arg24[%swap3A_158], %add3A_157 {strides = array<i32>} : memref<64xf32, #tpu.memory_space<vmem>>, vector<16xf32>,
      %broadcast_in_dim3A_160 = arith.constant 0.000000e+00 : f32
      %broadcast_in_dim3A_161 = vector.broadcast %broadcast_in_dim3A_160 : f32 to vector<16xf32>
      %broadcast_in_dim3A_162 = arith.constant 0.000000e+00 : f32
      %broadcast_in_dim3A_163 = vector.broadcast %broadcast_in_dim3A_162 : f32 to vector<16xf32>
      %get3A_164 = arith.constant 16 : index
      %get3A_165 = tpu.vector_load %arg21[%get3A_164] {strides = array<i32>} : memref<1280xf32, #tpu.memory_space<vmem>>, vector<16xf32>,
      %add3A_166 = arith.addf %broadcast_in_dim3A_161, %get3A_165 : vector<16xf32>
      %get3A_167 = arith.constant 16 : index
      %get3A_168 = tpu.vector_load %arg22[%get3A_167] {strides = array<i32>} : memref<1280xf32, #tpu.memory_space<vmem>>, vector<16xf32>,
      %add3A_169 = arith.addf %broadcast_in_dim3A_163, %get3A_168 : vector<16xf32>
      %get3A_170 = arith.constant 96 : index
      %get3A_171 = tpu.vector_load %arg21[%get3A_170] {strides = array<i32>} : memref<1280xf32, #tpu.memory_space<vmem>>, vector<16xf32>,
      %add3A_172 = arith.addf %add3A_166, %get3A_171 : vector<16xf32>
      %get3A_173 = arith.constant 96 : index
      %get3A_174 = tpu.vector_load %arg22[%get3A_173] {strides = array<i32>} : memref<1280xf32, #tpu.memory_space<vmem>>, vector<16xf32>,
      %add3A_175 = arith.addf %add3A_169, %get3A_174 : vector<16xf32>
      %get3A_176 = arith.constant 176 : index
      %get3A_177 = tpu.vector_load %arg21[%get3A_176] {strides = array<i32>} : memref<1280xf32, #tpu.memory_space<vmem>>, vector<16xf32>,
      %add3A_178 = arith.addf %add3A_172, %get3A_177 : vector<16xf32>
      %get3A_179 = arith.constant 176 : index
      %get3A_180 = tpu.vector_load %arg22[%get3A_179] {strides = array<i32>} : memref<1280xf32, #tpu.memory_space<vmem>>, vector<16xf32>,
      %add3A_181 = arith.addf %add3A_175, %get3A_180 : vector<16xf32>
      %get3A_182 = arith.constant 256 : index
      %get3A_183 = tpu.vector_load %arg21[%get3A_182] {strides = array<i32>} : memref<1280xf32, #tpu.memory_space<vmem>>, vector<16xf32>,
      %add3A_184 = arith.addf %add3A_178, %get3A_183 : vector<16xf32>
      %get3A_185 = arith.constant 256 : index
      %get3A_186 = tpu.vector_load %arg22[%get3A_185] {strides = array<i32>} : memref<1280xf32, #tpu.memory_space<vmem>>, vector<16xf32>,
      %add3A_187 = arith.addf %add3A_181, %get3A_186 : vector<16xf32>
      %get3A_188 = arith.constant 336 : index
      %get3A_189 = tpu.vector_load %arg21[%get3A_188] {strides = array<i32>} : memref<1280xf32, #tpu.memory_space<vmem>>, vector<16xf32>,
      %add3A_190 = arith.addf %add3A_184, %get3A_189 : vector<16xf32>
      %get3A_191 = arith.constant 336 : index
      %get3A_192 = tpu.vector_load %arg22[%get3A_191] {strides = array<i32>} : memref<1280xf32, #tpu.memory_space<vmem>>, vector<16xf32>,
      %add3A_193 = arith.addf %add3A_187, %get3A_192 : vector<16xf32>
      %get3A_194 = arith.constant 416 : index
      %get3A_195 = tpu.vector_load %arg21[%get3A_194] {strides = array<i32>} : memref<1280xf32, #tpu.memory_space<vmem>>, vector<16xf32>,
      %add3A_196 = arith.addf %add3A_190, %get3A_195 : vector<16xf32>
      %get3A_197 = arith.constant 416 : index
      %get3A_198 = tpu.vector_load %arg22[%get3A_197] {strides = array<i32>} : memref<1280xf32, #tpu.memory_space<vmem>>, vector<16xf32>,
      %add3A_199 = arith.addf %add3A_193, %get3A_198 : vector<16xf32>
      %get3A_200 = arith.constant 496 : index
      %get3A_201 = tpu.vector_load %arg21[%get3A_200] {strides = array<i32>} : memref<1280xf32, #tpu.memory_space<vmem>>, vector<16xf32>,
      %add3A_202 = arith.addf %add3A_196, %get3A_201 : vector<16xf32>
      %get3A_203 = arith.constant 496 : index
      %get3A_204 = tpu.vector_load %arg22[%get3A_203] {strides = array<i32>} : memref<1280xf32, #tpu.memory_space<vmem>>, vector<16xf32>,
      %add3A_205 = arith.addf %add3A_199, %get3A_204 : vector<16xf32>
      %get3A_206 = arith.constant 576 : index
      %get3A_207 = tpu.vector_load %arg21[%get3A_206] {strides = array<i32>} : memref<1280xf32, #tpu.memory_space<vmem>>, vector<16xf32>,
      %add3A_208 = arith.addf %add3A_202, %get3A_207 : vector<16xf32>
      %get3A_209 = arith.constant 576 : index
      %get3A_210 = tpu.vector_load %arg22[%get3A_209] {strides = array<i32>} : memref<1280xf32, #tpu.memory_space<vmem>>, vector<16xf32>,
      %add3A_211 = arith.addf %add3A_205, %get3A_210 : vector<16xf32>
      %get3A_212 = arith.constant 656 : index
      %get3A_213 = tpu.vector_load %arg21[%get3A_212] {strides = array<i32>} : memref<1280xf32, #tpu.memory_space<vmem>>, vector<16xf32>,
      %add3A_214 = arith.addf %add3A_208, %get3A_213 : vector<16xf32>
      %get3A_215 = arith.constant 656 : index
      %get3A_216 = tpu.vector_load %arg22[%get3A_215] {strides = array<i32>} : memref<1280xf32, #tpu.memory_space<vmem>>, vector<16xf32>,
      %add3A_217 = arith.addf %add3A_211, %get3A_216 : vector<16xf32>
      %get3A_218 = arith.constant 736 : index
      %get3A_219 = tpu.vector_load %arg21[%get3A_218] {strides = array<i32>} : memref<1280xf32, #tpu.memory_space<vmem>>, vector<16xf32>,
      %add3A_220 = arith.addf %add3A_214, %get3A_219 : vector<16xf32>
      %get3A_221 = arith.constant 736 : index
      %get3A_222 = tpu.vector_load %arg22[%get3A_221] {strides = array<i32>} : memref<1280xf32, #tpu.memory_space<vmem>>, vector<16xf32>,
      %add3A_223 = arith.addf %add3A_217, %get3A_222 : vector<16xf32>
      %get3A_224 = arith.constant 816 : index
      %get3A_225 = tpu.vector_load %arg21[%get3A_224] {strides = array<i32>} : memref<1280xf32, #tpu.memory_space<vmem>>, vector<16xf32>,
      %add3A_226 = arith.addf %add3A_220, %get3A_225 : vector<16xf32>
      %get3A_227 = arith.constant 816 : index
      %get3A_228 = tpu.vector_load %arg22[%get3A_227] {strides = array<i32>} : memref<1280xf32, #tpu.memory_space<vmem>>, vector<16xf32>,
      %add3A_229 = arith.addf %add3A_223, %get3A_228 : vector<16xf32>
      %get3A_230 = arith.constant 896 : index
      %get3A_231 = tpu.vector_load %arg21[%get3A_230] {strides = array<i32>} : memref<1280xf32, #tpu.memory_space<vmem>>, vector<16xf32>,
      %add3A_232 = arith.addf %add3A_226, %get3A_231 : vector<16xf32>
      %get3A_233 = arith.constant 896 : index
      %get3A_234 = tpu.vector_load %arg22[%get3A_233] {strides = array<i32>} : memref<1280xf32, #tpu.memory_space<vmem>>, vector<16xf32>,
      %add3A_235 = arith.addf %add3A_229, %get3A_234 : vector<16xf32>
      %get3A_236 = arith.constant 976 : index
      %get3A_237 = tpu.vector_load %arg21[%get3A_236] {strides = array<i32>} : memref<1280xf32, #tpu.memory_space<vmem>>, vector<16xf32>,
      %add3A_238 = arith.addf %add3A_232, %get3A_237 : vector<16xf32>
      %get3A_239 = arith.constant 976 : index
      %get3A_240 = tpu.vector_load %arg22[%get3A_239] {strides = array<i32>} : memref<1280xf32, #tpu.memory_space<vmem>>, vector<16xf32>,
      %add3A_241 = arith.addf %add3A_235, %get3A_240 : vector<16xf32>
      %get3A_242 = arith.constant 1056 : index
      %get3A_243 = tpu.vector_load %arg21[%get3A_242] {strides = array<i32>} : memref<1280xf32, #tpu.memory_space<vmem>>, vector<16xf32>,
      %add3A_244 = arith.addf %add3A_238, %get3A_243 : vector<16xf32>
      %get3A_245 = arith.constant 1056 : index
      %get3A_246 = tpu.vector_load %arg22[%get3A_245] {strides = array<i32>} : memref<1280xf32, #tpu.memory_space<vmem>>, vector<16xf32>,
      %add3A_247 = arith.addf %add3A_241, %get3A_246 : vector<16xf32>
      %get3A_248 = arith.constant 1136 : index
      %get3A_249 = tpu.vector_load %arg21[%get3A_248] {strides = array<i32>} : memref<1280xf32, #tpu.memory_space<vmem>>, vector<16xf32>,
      %add3A_250 = arith.addf %add3A_244, %get3A_249 : vector<16xf32>
      %get3A_251 = arith.constant 1136 : index
      %get3A_252 = tpu.vector_load %arg22[%get3A_251] {strides = array<i32>} : memref<1280xf32, #tpu.memory_space<vmem>>, vector<16xf32>,
      %add3A_253 = arith.addf %add3A_247, %get3A_252 : vector<16xf32>
      %get3A_254 = arith.constant 1216 : index
      %get3A_255 = tpu.vector_load %arg21[%get3A_254] {strides = array<i32>} : memref<1280xf32, #tpu.memory_space<vmem>>, vector<16xf32>,
      %add3A_256 = arith.addf %add3A_250, %get3A_255 : vector<16xf32>
      %get3A_257 = arith.constant 1216 : index
      %get3A_258 = tpu.vector_load %arg22[%get3A_257] {strides = array<i32>} : memref<1280xf32, #tpu.memory_space<vmem>>, vector<16xf32>,
      %add3A_259 = arith.addf %add3A_253, %get3A_258 : vector<16xf32>
      %max3A_260 = arith.constant 1.000000e+00 : f32
      %max3A_261 = vector.broadcast %max3A_260 : f32 to vector<16xf32>
      %max3A_262 = arith.maximumf %add3A_259, %max3A_261 : vector<16xf32>
      %div3A_263 = arith.divf %add3A_256, %max3A_262 : vector<16xf32>
      %get3A_264 = arith.constant 16 : index
      %get3A_265 = tpu.vector_load %arg23[%get3A_264] {strides = array<i32>} : memref<80xf32, #tpu.memory_space<vmem>>, vector<16xf32>,
      %add3A_266 = arith.addf %div3A_263, %get3A_265 : vector<16xf32>
      %swap3A_267 = arith.constant 16 : index
      %swap3A_268 = tpu.vector_load %arg24[%swap3A_267] {strides = array<i32>} : memref<64xf32, #tpu.memory_space<vmem>>, vector<16xf32>,
      tpu.vector_store %arg24[%swap3A_267], %add3A_266 {strides = array<i32>} : memref<64xf32, #tpu.memory_space<vmem>>, vector<16xf32>,
      %broadcast_in_dim3A_269 = arith.constant 0.000000e+00 : f32
      %broadcast_in_dim3A_270 = vector.broadcast %broadcast_in_dim3A_269 : f32 to vector<16xf32>
      %broadcast_in_dim3A_271 = arith.constant 0.000000e+00 : f32
      %broadcast_in_dim3A_272 = vector.broadcast %broadcast_in_dim3A_271 : f32 to vector<16xf32>
      %get3A_273 = arith.constant 32 : index
      %get3A_274 = tpu.vector_load %arg21[%get3A_273] {strides = array<i32>} : memref<1280xf32, #tpu.memory_space<vmem>>, vector<16xf32>,
      %add3A_275 = arith.addf %broadcast_in_dim3A_270, %get3A_274 : vector<16xf32>
      %get3A_276 = arith.constant 32 : index
      %get3A_277 = tpu.vector_load %arg22[%get3A_276] {strides = array<i32>} : memref<1280xf32, #tpu.memory_space<vmem>>, vector<16xf32>,
      %add3A_278 = arith.addf %broadcast_in_dim3A_272, %get3A_277 : vector<16xf32>
      %get3A_279 = arith.constant 112 : index
      %get3A_280 = tpu.vector_load %arg21[%get3A_279] {strides = array<i32>} : memref<1280xf32, #tpu.memory_space<vmem>>, vector<16xf32>,
      %add3A_281 = arith.addf %add3A_275, %get3A_280 : vector<16xf32>
      %get3A_282 = arith.constant 112 : index
      %get3A_283 = tpu.vector_load %arg22[%get3A_282] {strides = array<i32>} : memref<1280xf32, #tpu.memory_space<vmem>>, vector<16xf32>,
      %add3A_284 = arith.addf %add3A_278, %get3A_283 : vector<16xf32>
      %get3A_285 = arith.constant 192 : index
      %get3A_286 = tpu.vector_load %arg21[%get3A_285] {strides = array<i32>} : memref<1280xf32, #tpu.memory_space<vmem>>, vector<16xf32>,
      %add3A_287 = arith.addf %add3A_281, %get3A_286 : vector<16xf32>
      %get3A_288 = arith.constant 192 : index
      %get3A_289 = tpu.vector_load %arg22[%get3A_288] {strides = array<i32>} : memref<1280xf32, #tpu.memory_space<vmem>>, vector<16xf32>,
      %add3A_290 = arith.addf %add3A_284, %get3A_289 : vector<16xf32>
      %get3A_291 = arith.constant 272 : index
      %get3A_292 = tpu.vector_load %arg21[%get3A_291] {strides = array<i32>} : memref<1280xf32, #tpu.memory_space<vmem>>, vector<16xf32>,
      %add3A_293 = arith.addf %add3A_287, %get3A_292 : vector<16xf32>
      %get3A_294 = arith.constant 272 : index
      %get3A_295 = tpu.vector_load %arg22[%get3A_294] {strides = array<i32>} : memref<1280xf32, #tpu.memory_space<vmem>>, vector<16xf32>,
      %add3A_296 = arith.addf %add3A_290, %get3A_295 : vector<16xf32>
      %get3A_297 = arith.constant 352 : index
      %get3A_298 = tpu.vector_load %arg21[%get3A_297] {strides = array<i32>} : memref<1280xf32, #tpu.memory_space<vmem>>, vector<16xf32>,
      %add3A_299 = arith.addf %add3A_293, %get3A_298 : vector<16xf32>
      %get3A_300 = arith.constant 352 : index
      %get3A_301 = tpu.vector_load %arg22[%get3A_300] {strides = array<i32>} : memref<1280xf32, #tpu.memory_space<vmem>>, vector<16xf32>,
      %add3A_302 = arith.addf %add3A_296, %get3A_301 : vector<16xf32>
      %get3A_303 = arith.constant 432 : index
      %get3A_304 = tpu.vector_load %arg21[%get3A_303] {strides = array<i32>} : memref<1280xf32, #tpu.memory_space<vmem>>, vector<16xf32>,
      %add3A_305 = arith.addf %add3A_299, %get3A_304 : vector<16xf32>
      %get3A_306 = arith.constant 432 : index
      %get3A_307 = tpu.vector_load %arg22[%get3A_306] {strides = array<i32>} : memref<1280xf32, #tpu.memory_space<vmem>>, vector<16xf32>,
      %add3A_308 = arith.addf %add3A_302, %get3A_307 : vector<16xf32>
      %get3A_309 = arith.constant 512 : index
      %get3A_310 = tpu.vector_load %arg21[%get3A_309] {strides = array<i32>} : memref<1280xf32, #tpu.memory_space<vmem>>, vector<16xf32>,
      %add3A_311 = arith.addf %add3A_305, %get3A_310 : vector<16xf32>
      %get3A_312 = arith.constant 512 : index
      %get3A_313 = tpu.vector_load %arg22[%get3A_312] {strides = array<i32>} : memref<1280xf32, #tpu.memory_space<vmem>>, vector<16xf32>,
      %add3A_314 = arith.addf %add3A_308, %get3A_313 : vector<16xf32>
      %get3A_315 = arith.constant 592 : index
      %get3A_316 = tpu.vector_load %arg21[%get3A_315] {strides = array<i32>} : memref<1280xf32, #tpu.memory_space<vmem>>, vector<16xf32>,
      %add3A_317 = arith.addf %add3A_311, %get3A_316 : vector<16xf32>
      %get3A_318 = arith.constant 592 : index
      %get3A_319 = tpu.vector_load %arg22[%get3A_318] {strides = array<i32>} : memref<1280xf32, #tpu.memory_space<vmem>>, vector<16xf32>,
      %add3A_320 = arith.addf %add3A_314, %get3A_319 : vector<16xf32>
      %get3A_321 = arith.constant 672 : index
      %get3A_322 = tpu.vector_load %arg21[%get3A_321] {strides = array<i32>} : memref<1280xf32, #tpu.memory_space<vmem>>, vector<16xf32>,
      %add3A_323 = arith.addf %add3A_317, %get3A_322 : vector<16xf32>
      %get3A_324 = arith.constant 672 : index
      %get3A_325 = tpu.vector_load %arg22[%get3A_324] {strides = array<i32>} : memref<1280xf32, #tpu.memory_space<vmem>>, vector<16xf32>,
      %add3A_326 = arith.addf %add3A_320, %get3A_325 : vector<16xf32>
      %get3A_327 = arith.constant 752 : index
      %get3A_328 = tpu.vector_load %arg21[%get3A_327] {strides = array<i32>} : memref<1280xf32, #tpu.memory_space<vmem>>, vector<16xf32>,
      %add3A_329 = arith.addf %add3A_323, %get3A_328 : vector<16xf32>
      %get3A_330 = arith.constant 752 : index
      %get3A_331 = tpu.vector_load %arg22[%get3A_330] {strides = array<i32>} : memref<1280xf32, #tpu.memory_space<vmem>>, vector<16xf32>,
      %add3A_332 = arith.addf %add3A_326, %get3A_331 : vector<16xf32>
      %get3A_333 = arith.constant 832 : index
      %get3A_334 = tpu.vector_load %arg21[%get3A_333] {strides = array<i32>} : memref<1280xf32, #tpu.memory_space<vmem>>, vector<16xf32>,
      %add3A_335 = arith.addf %add3A_329, %get3A_334 : vector<16xf32>
      %get3A_336 = arith.constant 832 : index
      %get3A_337 = tpu.vector_load %arg22[%get3A_336] {strides = array<i32>} : memref<1280xf32, #tpu.memory_space<vmem>>, vector<16xf32>,
      %add3A_338 = arith.addf %add3A_332, %get3A_337 : vector<16xf32>
      %get3A_339 = arith.constant 912 : index
      %get3A_340 = tpu.vector_load %arg21[%get3A_339] {strides = array<i32>} : memref<1280xf32, #tpu.memory_space<vmem>>, vector<16xf32>,
      %add3A_341 = arith.addf %add3A_335, %get3A_340 : vector<16xf32>
      %get3A_342 = arith.constant 912 : index
      %get3A_343 = tpu.vector_load %arg22[%get3A_342] {strides = array<i32>} : memref<1280xf32, #tpu.memory_space<vmem>>, vector<16xf32>,
      %add3A_344 = arith.addf %add3A_338, %get3A_343 : vector<16xf32>
      %get3A_345 = arith.constant 992 : index
      %get3A_346 = tpu.vector_load %arg21[%get3A_345] {strides = array<i32>} : memref<1280xf32, #tpu.memory_space<vmem>>, vector<16xf32>,
      %add3A_347 = arith.addf %add3A_341, %get3A_346 : vector<16xf32>
      %get3A_348 = arith.constant 992 : index
      %get3A_349 = tpu.vector_load %arg22[%get3A_348] {strides = array<i32>} : memref<1280xf32, #tpu.memory_space<vmem>>, vector<16xf32>,
      %add3A_350 = arith.addf %add3A_344, %get3A_349 : vector<16xf32>
      %get3A_351 = arith.constant 1072 : index
      %get3A_352 = tpu.vector_load %arg21[%get3A_351] {strides = array<i32>} : memref<1280xf32, #tpu.memory_space<vmem>>, vector<16xf32>,
      %add3A_353 = arith.addf %add3A_347, %get3A_352 : vector<16xf32>
      %get3A_354 = arith.constant 1072 : index
      %get3A_355 = tpu.vector_load %arg22[%get3A_354] {strides = array<i32>} : memref<1280xf32, #tpu.memory_space<vmem>>, vector<16xf32>,
      %add3A_356 = arith.addf %add3A_350, %get3A_355 : vector<16xf32>
      %get3A_357 = arith.constant 1152 : index
      %get3A_358 = tpu.vector_load %arg21[%get3A_357] {strides = array<i32>} : memref<1280xf32, #tpu.memory_space<vmem>>, vector<16xf32>,
      %add3A_359 = arith.addf %add3A_353, %get3A_358 : vector<16xf32>
      %get3A_360 = arith.constant 1152 : index
      %get3A_361 = tpu.vector_load %arg22[%get3A_360] {strides = array<i32>} : memref<1280xf32, #tpu.memory_space<vmem>>, vector<16xf32>,
      %add3A_362 = arith.addf %add3A_356, %get3A_361 : vector<16xf32>
      %get3A_363 = arith.constant 1232 : index
      %get3A_364 = tpu.vector_load %arg21[%get3A_363] {strides = array<i32>} : memref<1280xf32, #tpu.memory_space<vmem>>, vector<16xf32>,
      %add3A_365 = arith.addf %add3A_359, %get3A_364 : vector<16xf32>
      %get3A_366 = arith.constant 1232 : index
      %get3A_367 = tpu.vector_load %arg22[%get3A_366] {strides = array<i32>} : memref<1280xf32, #tpu.memory_space<vmem>>, vector<16xf32>,
      %add3A_368 = arith.addf %add3A_362, %get3A_367 : vector<16xf32>
      %max3A_369 = arith.constant 1.000000e+00 : f32
      %max3A_370 = vector.broadcast %max3A_369 : f32 to vector<16xf32>
      %max3A_371 = arith.maximumf %add3A_368, %max3A_370 : vector<16xf32>
      %div3A_372 = arith.divf %add3A_365, %max3A_371 : vector<16xf32>
      %get3A_373 = arith.constant 32 : index
      %get3A_374 = tpu.vector_load %arg23[%get3A_373] {strides = array<i32>} : memref<80xf32, #tpu.memory_space<vmem>>, vector<16xf32>,
      %add3A_375 = arith.addf %div3A_372, %get3A_374 : vector<16xf32>
      %swap3A_376 = arith.constant 32 : index
      %swap3A_377 = tpu.vector_load %arg24[%swap3A_376] {strides = array<i32>} : memref<64xf32, #tpu.memory_space<vmem>>, vector<16xf32>,
      tpu.vector_store %arg24[%swap3A_376], %add3A_375 {strides = array<i32>} : memref<64xf32, #tpu.memory_space<vmem>>, vector<16xf32>,
      %broadcast_in_dim3A_378 = arith.constant 0.000000e+00 : f32
      %broadcast_in_dim3A_379 = vector.broadcast %broadcast_in_dim3A_378 : f32 to vector<16xf32>
      %broadcast_in_dim3A_380 = arith.constant 0.000000e+00 : f32
      %broadcast_in_dim3A_381 = vector.broadcast %broadcast_in_dim3A_380 : f32 to vector<16xf32>
      %get3A_382 = arith.constant 48 : index
      %get3A_383 = tpu.vector_load %arg21[%get3A_382] {strides = array<i32>} : memref<1280xf32, #tpu.memory_space<vmem>>, vector<16xf32>,
      %add3A_384 = arith.addf %broadcast_in_dim3A_379, %get3A_383 : vector<16xf32>
      %get3A_385 = arith.constant 48 : index
      %get3A_386 = tpu.vector_load %arg22[%get3A_385] {strides = array<i32>} : memref<1280xf32, #tpu.memory_space<vmem>>, vector<16xf32>,
      %add3A_387 = arith.addf %broadcast_in_dim3A_381, %get3A_386 : vector<16xf32>
      %get3A_388 = arith.constant 128 : index
      %get3A_389 = tpu.vector_load %arg21[%get3A_388] {strides = array<i32>} : memref<1280xf32, #tpu.memory_space<vmem>>, vector<16xf32>,
      %add3A_390 = arith.addf %add3A_384, %get3A_389 : vector<16xf32>
      %get3A_391 = arith.constant 128 : index
      %get3A_392 = tpu.vector_load %arg22[%get3A_391] {strides = array<i32>} : memref<1280xf32, #tpu.memory_space<vmem>>, vector<16xf32>,
      %add3A_393 = arith.addf %add3A_387, %get3A_392 : vector<16xf32>
      %get3A_394 = arith.constant 208 : index
      %get3A_395 = tpu.vector_load %arg21[%get3A_394] {strides = array<i32>} : memref<1280xf32, #tpu.memory_space<vmem>>, vector<16xf32>,
      %add3A_396 = arith.addf %add3A_390, %get3A_395 : vector<16xf32>
      %get3A_397 = arith.constant 208 : index
      %get3A_398 = tpu.vector_load %arg22[%get3A_397] {strides = array<i32>} : memref<1280xf32, #tpu.memory_space<vmem>>, vector<16xf32>,
      %add3A_399 = arith.addf %add3A_393, %get3A_398 : vector<16xf32>
      %get3A_400 = arith.constant 288 : index
      %get3A_401 = tpu.vector_load %arg21[%get3A_400] {strides = array<i32>} : memref<1280xf32, #tpu.memory_space<vmem>>, vector<16xf32>,
      %add3A_402 = arith.addf %add3A_396, %get3A_401 : vector<16xf32>
      %get3A_403 = arith.constant 288 : index
      %get3A_404 = tpu.vector_load %arg22[%get3A_403] {strides = array<i32>} : memref<1280xf32, #tpu.memory_space<vmem>>, vector<16xf32>,
      %add3A_405 = arith.addf %add3A_399, %get3A_404 : vector<16xf32>
      %get3A_406 = arith.constant 368 : index
      %get3A_407 = tpu.vector_load %arg21[%get3A_406] {strides = array<i32>} : memref<1280xf32, #tpu.memory_space<vmem>>, vector<16xf32>,
      %add3A_408 = arith.addf %add3A_402, %get3A_407 : vector<16xf32>
      %get3A_409 = arith.constant 368 : index
      %get3A_410 = tpu.vector_load %arg22[%get3A_409] {strides = array<i32>} : memref<1280xf32, #tpu.memory_space<vmem>>, vector<16xf32>,
      %add3A_411 = arith.addf %add3A_405, %get3A_410 : vector<16xf32>
      %get3A_412 = arith.constant 448 : index
      %get3A_413 = tpu.vector_load %arg21[%get3A_412] {strides = array<i32>} : memref<1280xf32, #tpu.memory_space<vmem>>, vector<16xf32>,
      %add3A_414 = arith.addf %add3A_408, %get3A_413 : vector<16xf32>
      %get3A_415 = arith.constant 448 : index
      %get3A_416 = tpu.vector_load %arg22[%get3A_415] {strides = array<i32>} : memref<1280xf32, #tpu.memory_space<vmem>>, vector<16xf32>,
      %add3A_417 = arith.addf %add3A_411, %get3A_416 : vector<16xf32>
      %get3A_418 = arith.constant 528 : index
      %get3A_419 = tpu.vector_load %arg21[%get3A_418] {strides = array<i32>} : memref<1280xf32, #tpu.memory_space<vmem>>, vector<16xf32>,
      %add3A_420 = arith.addf %add3A_414, %get3A_419 : vector<16xf32>
      %get3A_421 = arith.constant 528 : index
      %get3A_422 = tpu.vector_load %arg22[%get3A_421] {strides = array<i32>} : memref<1280xf32, #tpu.memory_space<vmem>>, vector<16xf32>,
      %add3A_423 = arith.addf %add3A_417, %get3A_422 : vector<16xf32>
      %get3A_424 = arith.constant 608 : index
      %get3A_425 = tpu.vector_load %arg21[%get3A_424] {strides = array<i32>} : memref<1280xf32, #tpu.memory_space<vmem>>, vector<16xf32>,
      %add3A_426 = arith.addf %add3A_420, %get3A_425 : vector<16xf32>
      %get3A_427 = arith.constant 608 : index
      %get3A_428 = tpu.vector_load %arg22[%get3A_427] {strides = array<i32>} : memref<1280xf32, #tpu.memory_space<vmem>>, vector<16xf32>,
      %add3A_429 = arith.addf %add3A_423, %get3A_428 : vector<16xf32>
      %get3A_430 = arith.constant 688 : index
      %get3A_431 = tpu.vector_load %arg21[%get3A_430] {strides = array<i32>} : memref<1280xf32, #tpu.memory_space<vmem>>, vector<16xf32>,
      %add3A_432 = arith.addf %add3A_426, %get3A_431 : vector<16xf32>
      %get3A_433 = arith.constant 688 : index
      %get3A_434 = tpu.vector_load %arg22[%get3A_433] {strides = array<i32>} : memref<1280xf32, #tpu.memory_space<vmem>>, vector<16xf32>,
      %add3A_435 = arith.addf %add3A_429, %get3A_434 : vector<16xf32>
      %get3A_436 = arith.constant 768 : index
      %get3A_437 = tpu.vector_load %arg21[%get3A_436] {strides = array<i32>} : memref<1280xf32, #tpu.memory_space<vmem>>, vector<16xf32>,
      %add3A_438 = arith.addf %add3A_432, %get3A_437 : vector<16xf32>
      %get3A_439 = arith.constant 768 : index
      %get3A_440 = tpu.vector_load %arg22[%get3A_439] {strides = array<i32>} : memref<1280xf32, #tpu.memory_space<vmem>>, vector<16xf32>,
      %add3A_441 = arith.addf %add3A_435, %get3A_440 : vector<16xf32>
      %get3A_442 = arith.constant 848 : index
      %get3A_443 = tpu.vector_load %arg21[%get3A_442] {strides = array<i32>} : memref<1280xf32, #tpu.memory_space<vmem>>, vector<16xf32>,
      %add3A_444 = arith.addf %add3A_438, %get3A_443 : vector<16xf32>
      %get3A_445 = arith.constant 848 : index
      %get3A_446 = tpu.vector_load %arg22[%get3A_445] {strides = array<i32>} : memref<1280xf32, #tpu.memory_space<vmem>>, vector<16xf32>,
      %add3A_447 = arith.addf %add3A_441, %get3A_446 : vector<16xf32>
      %get3A_448 = arith.constant 928 : index
      %get3A_449 = tpu.vector_load %arg21[%get3A_448] {strides = array<i32>} : memref<1280xf32, #tpu.memory_space<vmem>>, vector<16xf32>,
      %add3A_450 = arith.addf %add3A_444, %get3A_449 : vector<16xf32>
      %get3A_451 = arith.constant 928 : index
      %get3A_452 = tpu.vector_load %arg22[%get3A_451] {strides = array<i32>} : memref<1280xf32, #tpu.memory_space<vmem>>, vector<16xf32>,
      %add3A_453 = arith.addf %add3A_447, %get3A_452 : vector<16xf32>
      %get3A_454 = arith.constant 1008 : index
      %get3A_455 = tpu.vector_load %arg21[%get3A_454] {strides = array<i32>} : memref<1280xf32, #tpu.memory_space<vmem>>, vector<16xf32>,
      %add3A_456 = arith.addf %add3A_450, %get3A_455 : vector<16xf32>
      %get3A_457 = arith.constant 1008 : index
      %get3A_458 = tpu.vector_load %arg22[%get3A_457] {strides = array<i32>} : memref<1280xf32, #tpu.memory_space<vmem>>, vector<16xf32>,
      %add3A_459 = arith.addf %add3A_453, %get3A_458 : vector<16xf32>
      %get3A_460 = arith.constant 1088 : index
      %get3A_461 = tpu.vector_load %arg21[%get3A_460] {strides = array<i32>} : memref<1280xf32, #tpu.memory_space<vmem>>, vector<16xf32>,
      %add3A_462 = arith.addf %add3A_456, %get3A_461 : vector<16xf32>
      %get3A_463 = arith.constant 1088 : index
      %get3A_464 = tpu.vector_load %arg22[%get3A_463] {strides = array<i32>} : memref<1280xf32, #tpu.memory_space<vmem>>, vector<16xf32>,
      %add3A_465 = arith.addf %add3A_459, %get3A_464 : vector<16xf32>
      %get3A_466 = arith.constant 1168 : index
      %get3A_467 = tpu.vector_load %arg21[%get3A_466] {strides = array<i32>} : memref<1280xf32, #tpu.memory_space<vmem>>, vector<16xf32>,
      %add3A_468 = arith.addf %add3A_462, %get3A_467 : vector<16xf32>
      %get3A_469 = arith.constant 1168 : index
      %get3A_470 = tpu.vector_load %arg22[%get3A_469] {strides = array<i32>} : memref<1280xf32, #tpu.memory_space<vmem>>, vector<16xf32>,
      %add3A_471 = arith.addf %add3A_465, %get3A_470 : vector<16xf32>
      %get3A_472 = arith.constant 1248 : index
      %get3A_473 = tpu.vector_load %arg21[%get3A_472] {strides = array<i32>} : memref<1280xf32, #tpu.memory_space<vmem>>, vector<16xf32>,
      %add3A_474 = arith.addf %add3A_468, %get3A_473 : vector<16xf32>
      %get3A_475 = arith.constant 1248 : index
      %get3A_476 = tpu.vector_load %arg22[%get3A_475] {strides = array<i32>} : memref<1280xf32, #tpu.memory_space<vmem>>, vector<16xf32>,
      %add3A_477 = arith.addf %add3A_471, %get3A_476 : vector<16xf32>
      %max3A_478 = arith.constant 1.000000e+00 : f32
      %max3A_479 = vector.broadcast %max3A_478 : f32 to vector<16xf32>
      %max3A_480 = arith.maximumf %add3A_477, %max3A_479 : vector<16xf32>
      %div3A_481 = arith.divf %add3A_474, %max3A_480 : vector<16xf32>
      %get3A_482 = arith.constant 48 : index
      %get3A_483 = tpu.vector_load %arg23[%get3A_482] {strides = array<i32>} : memref<80xf32, #tpu.memory_space<vmem>>, vector<16xf32>,
      %add3A_484 = arith.addf %div3A_481, %get3A_483 : vector<16xf32>
      %swap3A_485 = arith.constant 48 : index
      %swap3A_486 = tpu.vector_load %arg24[%swap3A_485] {strides = array<i32>} : memref<64xf32, #tpu.memory_space<vmem>>, vector<16xf32>,
      tpu.vector_store %arg24[%swap3A_485], %add3A_484 {strides = array<i32>} : memref<64xf32, #tpu.memory_space<vmem>>, vector<16xf32>,
      "tpu.region"() ({
        %run_scoped3A = tpu.sem_alloc : memref<!tpu.dma_semaphore, #tpu.memory_space<semaphore_mem>>
        tpu.enqueue_dma source(%arg24 : memref<64xf32, #tpu.memory_space<vmem>>) target(%arg8 : memref<64xf32, #tpu.memory_space<hbm>>) target_semaphore(%run_scoped3A : memref<!tpu.dma_semaphore, #tpu.memory_space<semaphore_mem>>)
        tpu.wait_dma2 semaphore(%run_scoped3A : memref<!tpu.dma_semaphore, #tpu.memory_space<semaphore_mem>>) src(%arg24 : memref<64xf32, #tpu.memory_space<vmem>>) dst(%arg8 : memref<64xf32, #tpu.memory_space<hbm>>)
        tpu.yield
      }) : () -> ()
    } else {
    }
    return
  }
}

module attributes {stable_mosaic.version = 14 : i64} {
  func.func @_tc_compress(%arg0: memref<10000x128xf32, #tpu.memory_space<vmem>>, %arg1: memref<10000x128xf32, #tpu.memory_space<vmem>>, %arg2: memref<1x128xf32, #tpu.memory_space<vmem>>, %arg3: memref<80x128xf32, #tpu.memory_space<vmem>>) attributes {dimension_semantics = [], scalar_prefetch = 0 : i64, scratch_operands = 0 : i64, tpu.core_type = #tpu.core_type<tc>} {
    %get3A = arith.constant 0 : index
    %get3A_0 = arith.constant 0 : index
    %get3A_1 = vector.load %arg0[%get3A, %get3A_0] : memref<10000x128xf32, #tpu.memory_space<vmem>>, vector<10000x128xf32>
    %get3A_2 = arith.constant 0 : index
    %get3A_3 = arith.constant 0 : index
    %get3A_4 = vector.load %arg1[%get3A_2, %get3A_3] : memref<10000x128xf32, #tpu.memory_space<vmem>>, vector<10000x128xf32>
    %sub3A = arith.subf %get3A_1, %get3A_4 : vector<10000x128xf32>
    %get3A_5 = arith.constant 0 : index
    %get3A_6 = arith.constant 0 : index
    %get3A_7 = vector.load %arg2[%get3A_5, %get3A_6] : memref<1x128xf32, #tpu.memory_space<vmem>>, vector<1x128xf32>
    %mul3A = vector.broadcast %get3A_7 : vector<1x128xf32> to vector<10000x128xf32>
    %mul3A_8 = arith.mulf %sub3A, %mul3A : vector<10000x128xf32>
    %reduce_sum3A = arith.constant dense<0.000000e+00> : vector<10000xf32>
    %reduce_sum3A_9 = vector.multi_reduction <add>, %mul3A_8, %reduce_sum3A [1] : vector<10000x128xf32> to vector<10000xf32>
    %slice3A = vector.extract_strided_slice %reduce_sum3A_9 {offsets = [0], sizes = [9984], strides = [1]} : vector<10000xf32> to vector<9984xf32>
    %reshape3A = vector.shape_cast %slice3A : vector<9984xf32> to vector<78x128xf32>
    %swap3A = arith.constant 0 : index
    %swap3A_10 = arith.constant 0 : index
    %swap3A_11 = vector.load %arg3[%swap3A, %swap3A_10] : memref<80x128xf32, #tpu.memory_space<vmem>>, vector<78x128xf32>
    tpu.vector_store %arg3[%swap3A, %swap3A_10], %reshape3A {strides = array<i32>} : memref<80x128xf32, #tpu.memory_space<vmem>>, vector<78x128xf32>,
    %slice3A_12 = vector.extract_strided_slice %reduce_sum3A_9 {offsets = [9984], sizes = [16], strides = [1]} : vector<10000xf32> to vector<16xf32>
    %reshape3A_13 = vector.shape_cast %slice3A_12 : vector<16xf32> to vector<1x16xf32>
    %swap3A_14 = arith.constant 78 : index
    %swap3A_15 = arith.constant 0 : index
    %swap3A_16 = vector.load %arg3[%swap3A_14, %swap3A_15] : memref<80x128xf32, #tpu.memory_space<vmem>>, vector<1x16xf32>
    tpu.vector_store %arg3[%swap3A_14, %swap3A_15], %reshape3A_13 {strides = array<i32>} : memref<80x128xf32, #tpu.memory_space<vmem>>, vector<1x16xf32>,
    return
  }
}

</mosaic_0001>

<sc_bundles>
// kernel: kernel.4.cloned.1.call-start
scs
__scs_entry_jumppad:
0x0: {  	(pc) =	sbr.rel $0x88, $3  }
0x1: {  	(tag) =	ssettag $0x0;
	lr =	simm.s32 $0x1  }
0x2: {  	[smem:$0x3F9A] =	sst lr;
	_ =	strace $0xD0000000  }
0x3: {  	_ = 	snop  }
0x4: {  	_ = 	snop  }
0x5: {  	_ = 	snop  }
0x6: {  	_ = 	snop  }
0x7: {  	_ = 	snop  }
__scs_overlays_trampoline_lowered:
0x8: {  	[smem:$0x3FA9] =	sst s0  }
0x9: {  	[smem:$0x3FAA] =	sst s1  }
0xa: {  	[smem:$0x3FAB] =	sst s2  }
0xb: {  	[smem:$0x3FAC] =	sst s3  }
0xc: {  	[smem:$0x3FAD] =	sst s4  }
0xd: {  	[smem:$0x3FAE] =	sst s5  }
0xe: {  	[smem:$0x3FAF] =	sst s6  }
0xf: {  	[smem:$0x3FB0] =	sst s7  }
0x10: {  	[smem:$0x3FB1] =	sst s8  }
0x11: {  	[smem:$0x3FB2] =	sst s9;
	s0 =	simm.s32 @!p0 $0x0  }
0x12: {  	s1 =	sld [smem:$0x3F98];
	s0 =	simm.s32 @p0 $0x1  }
0x13: {  	[smem:$0x3FB3] =	sst s0;
	s0 =	simm.s32 @!p1 $0x0  }
0x14: {  	s2 =	sld [smem:$0x3F97];
	s0 =	simm.s32 @p1 $0x1  }
0x15: {  	[smem:$0x3FB4] =	sst s0;
	s0 =	simm.s32 @!p2 $0x0  }
0x16: {  	s3 =	sld [smem:$0x3FDB];
	s0 =	simm.s32 @p2 $0x1  }
0x17: {  	s4 =	simm.s32 $0x1BF5;
	[smem:$0x3FB6] =	sst s0  }
0x18: {  	s0 =	sld [smem:$0x3F99];
	_ =	swait.ge [sflag:s4], $0x0  }
0x19: {  	s7 =	sld [smem:$0x3F9A]  }
0x1a: {  	s8 =	sadd.s32 $0xFFFFE003, lr  }
0x1b: {  	s9 =	sadd.s32 $0xFFFFFEF7, lr;
	s5 =	simm.s32 $0xFFFFFFFF;
	p2 =	slt.u32 s8, $0xFFFFF086  }
0x1c: {  	p1 =	slt.u32 s9, $0xF7A;
	s5 =	simm.s32 @!p2 $0x0  }
0x1d: {  	s5 =	simm.s32 @p1 $0x1;
	p0 =	seq.s32 s7, s2  }
0x1e: {  	s7 =	smul.u32 @!p0 $0xF7A, s2;
	p2 =	seq.s32 @!p0 s5, $0x0  }
0x1f: {  	s9 =	smul.u32 $0xF7A, s1;
	s8 =	simm.s32 @!p0 $0x1BF5;
	p2 =	por !p2, p0  }
0x20: {  	[sflag:s8] =	ssyncset.s32 @!p0 $0xFFFFF086;
	s6 =	sadd.s32 @!p0 s3, s7;
	s7 =	simm.s32 @!p0 $0x108  }
0x21: {  	s3 =	sadd.s32 s3, s9;
	s6 =	sadd.s32 @!p0 $0x88, s6;
	s7 =	simm.s32 @p2 $0x1082  }
0x22: {  	[simem:s7], [sflag:s8] =	dma.local @!p0 [hbm:s6], $0xF7A  }
0x23: {  	s9 =	sor.u32 $0xD0000000, s2;
	s6 =	simm.s32 $0x108;
	_ =	swait.ge @!p0 [sflag:s8], $0x0  }
0x24: {  	s3 =	sadd.s32 $0x88, s3;
	s6 =	simm.s32 @!p1 $0x1082;
	[sflag:s4] =	ssyncset.s32 $0xFFFFF086  }
0x25: {  	[simem:s6], [sflag:s4] =	dma.local [hbm:s3], $0xF7A  }
0x26: {  	[smem:$0x3F9A] =	sst s1;
	(tag) =	ssettag s2;
	_ =	strace s9  }
0x27: {  	s1 =	sld [smem:$0x3FAA]  }
0x28: {  	s2 =	sld [smem:$0x3FAB]  }
0x29: {  	s4 =	sld [smem:$0x3FAD]  }
0x2a: {  	p0 =	seq.s32 s5, $0x0;
	s5 =	sld [smem:$0x3FAE]  }
0x2b: {  	s6 =	sld [smem:$0x3FAF]  }
0x2c: {  	s7 =	sld [smem:$0x3FB0]  }
0x2d: {  	s3 =	simm.s32 $0x108;
	s8 =	sld [smem:$0x3FB1]  }
0x2e: {  	s3 =	simm.s32 @!p0 $0x1082;
	s9 =	sld [smem:$0x3FB2]  }
0x2f: {  	lr =	sadd.s32 s0, s3;
	s0 =	sld [smem:$0x3FA9]  }
0x30: {  	s3 =	sld [smem:$0x3FAC]  }
0x31: {  	[smem:$0x3FB5] =	sst s10  }
0x32: {  	s10 =	sld [smem:$0x3FB3];
	_ =	sdelay $0x3  }
0x33: {  	p0 =	seq.s32 s10, $0x1;
	s10 =	sld [smem:$0x3FB5];
	_ =	sdelay $0x3  }
0x34: {  	[smem:$0x3FB5] =	sst s10  }
0x35: {  	s10 =	sld [smem:$0x3FB4];
	_ =	sdelay $0x3  }
0x36: {  	p1 =	seq.s32 s10, $0x1;
	s10 =	sld [smem:$0x3FB5];
	_ =	sdelay $0x3  }
0x37: {  	[smem:$0x3FB5] =	sst s10  }
0x38: {  	s10 =	sld [smem:$0x3FB6]  }
0x39: {  	_ = 	snop;
	(pc) =	sbr.ind lr, $3  }
0x3a: {  	_ = 	snop  }
0x3b: {  	_ = 	snop  }
0x3c: {  	p2 =	seq.s32 s10, $0x1;
	s10 =	sld [smem:$0x3FB5]  }
0x3d: {  	_ =	shalt  }
0x3e: {  	_ =	shalt  }
0x3f: {  	_ =	shalt  }
0x40: {  	_ =	shalt  }
0x41: {  	_ =	shalt  }
0x42: {  	_ =	shalt  }
0x43: {  	_ =	shalt  }
0x44: {  	_ =	shalt  }
0x45: {  	_ =	shalt  }
0x46: {  	_ =	shalt  }
0x47: {  	_ =	shalt  }
0x48: {  	_ =	shalt  }
0x49: {  	_ =	shalt  }
0x4a: {  	_ =	shalt  }
0x4b: {  	_ =	shalt  }
0x4c: {  	_ =	shalt  }
0x4d: {  	_ =	shalt  }
0x4e: {  	_ =	shalt  }
0x4f: {  	_ =	shalt  }
0x50: {  	_ =	shalt  }
0x51: {  	_ =	shalt  }
0x52: {  	_ =	shalt  }
0x53: {  	_ =	shalt  }
0x54: {  	_ =	shalt  }
0x55: {  	_ =	shalt  }
0x56: {  	_ =	shalt  }
0x57: {  	_ =	shalt  }
0x58: {  	_ =	shalt  }
0x59: {  	_ =	shalt  }
0x5a: {  	_ =	shalt  }
0x5b: {  	_ =	shalt  }
0x5c: {  	_ =	shalt  }
0x5d: {  	_ =	shalt  }
0x5e: {  	_ =	shalt  }
0x5f: {  	_ =	shalt  }
0x60: {  	_ =	shalt  }
0x61: {  	_ =	shalt  }
0x62: {  	_ =	shalt  }
0x63: {  	_ =	shalt  }
0x64: {  	_ =	shalt  }
0x65: {  	_ =	shalt  }
0x66: {  	_ =	shalt  }
0x67: {  	_ =	shalt  }
0x68: {  	_ =	shalt  }
0x69: {  	_ =	shalt  }
0x6a: {  	_ =	shalt  }
0x6b: {  	_ =	shalt  }
0x6c: {  	_ =	shalt  }
0x6d: {  	_ =	shalt  }
0x6e: {  	_ =	shalt  }
0x6f: {  	_ =	shalt  }
0x70: {  	_ =	shalt  }
0x71: {  	_ =	shalt  }
0x72: {  	_ =	shalt  }
0x73: {  	_ =	shalt  }
0x74: {  	_ =	shalt  }
0x75: {  	_ =	shalt  }
0x76: {  	_ =	shalt  }
0x77: {  	_ =	shalt  }
0x78: {  	_ =	shalt  }
0x79: {  	_ =	shalt  }
0x7a: {  	_ =	shalt  }
0x7b: {  	_ =	shalt  }
0x7c: {  	_ =	shalt  }
0x7d: {  	_ =	shalt  }
0x7e: {  	_ =	shalt  }
0x7f: {  	_ =	shalt  }
0x80: {  	_ =	shalt  }
0x81: {  	_ =	shalt  }
0x82: {  	_ =	shalt  }
0x83: {  	_ =	shalt  }
0x84: {  	_ =	shalt  }
0x85: {  	_ =	shalt  }
0x86: {  	_ =	shalt  }
0x87: {  	_ =	shalt  }
.Lfunc_end0:
.L_simem_size_0:
called_computation_lowered:
.L_overlay_start_0:
0x88: {  	s0 =	sld [smem:$0x3FD9]  }
0x89: {  	s1 =	sld [smem:$0x3FFE];
	_ =	sdelay $0x3  }
0x8a: {  	s0 =	sadd.s32 s1, s0  }
0x8b: {  	[smem:$0x3FC1] =	sst s0  }
0x8c: {  	_ = 	snop  }
0x8d: {  	s0 =	sld [smem:$0x3FC5]  }
0x8e: {  	s16 =	sld [smem:$0x3FC4]  }
0x8f: {  	s2 =	sld [smem:$0x3FC3]  }
0x90: {  	s3 =	sld [smem:$0x3FD0];
	(tm) =	ssettm $0x1  }
0x91: {  	s4 =	sld [smem:$0x3FFB];
	_ =	sdelay $0x3  }
0x92: {  	_ =	strace s4  }
0x93: {  	s4 =	sld [smem:$0x3FFC];
	_ =	sdelay $0x3  }
0x94: {  	_ =	strace s4  }
0x95: {  	s4 =	sld [smem:$0x3FFD];
	_ =	sdelay $0x3  }
0x96: {  	_ =	strace s4  }
0x97: {  	_ =	strace $0x8FFFFFFF  }
0x98: {  	s17 =	sld [smem:$0x3FDB];
	_ =	sdelay $0x1  }
0x99: {  	s5 =	simm.s32 $_scs_section_size  }
0x9a: {  	s6 =	simm.s32 $_size__tile_overlayer_lowered;
	s7 =	simm.s32 $_tile_overlayer_lowered  }
0x9b: {  	s20 =	simm.s32 $0x1BFF;
	s19 =	sshll.u32 s7, $0x1;
	s4 =	sadd.s32 s5, s17  }
0x9c: {  	s8 =	simm.s32 $0x0;
	s18 =	sshll.u32 s6, $0x1;
	s6 =	sadd.s32 s19, s4  }
0x9d: {  	[timem:s8], [sflag:s20] =	dma.local [hbm:s6], s18  }
0x9e: {  	_ =	swait.ge [sflag:s20], s18  }
0x9f: {  	s5 =	ssub.s32 $0x0, s18;
	[sflag:s20] =	ssyncset.done $0x0  }
0xa0: {  	[sflag:s20] =	ssyncadd.s32 s5;
	_ =	sdelay $0x1  }
0xa1: {  	s21 =	simm.s32 $0x1B8B  }
0xa2: {  	_ =	swait.ge [sflag:s21], $0x1  }
0xa3: {  	[sflag:s21] =	ssyncset.done $0x0  }
0xa4: {  	s23 =	simm.s32 $0x1B8E;
	s22 =	sld [smem:$0x3FFE];
	[sflag:s21] =	ssyncadd.s32 $0xFFFFFFFF  }
0xa5: {  	s24 =	simm.s32 $execute0_lowered;
	[smem:$0x3FD2] =	sst s23  }
0xa6: {  	s6 =	sshll.u32 s24, $0x1;
	_ =	strace $0x80000046;
	[dreg:$0x1] =	wrdreg $0xFFFFFFFF  }
0xa7: {  	s25 =	simm.s32 $_size_execute0_lowered;
	s4 =	sadd.s32 s4, s6;
	[dreg:$0x0] =	wrdreg $0x0  }
0xa8: {  	s6 =	sshll.u32 s25, $0x1;
	[dreg:$0x2] =	wrdreg s4  }
0xa9: {  	[dreg:$0x3] =	wrdreg s6  }
0xaa: {  	[dreg:$0x4] =	wrdreg $0xC0  }
0xab: {  	_ =	task [dreg:s8], $0x5FFFF  }
0xac: {  	[dreg:$0x1] =	wrdreg $0xFFFFFFFF  }
0xad: {  	[dreg:$0x0] =	wrdreg $0x60  }
0xae: {  	[dreg:$0x2] =	wrdreg s22  }
0xaf: {  	[dreg:$0x3] =	wrdreg s0  }
0xb0: {  	[dreg:$0x4] =	wrdreg s16  }
0xb1: {  	[dreg:$0x5] =	wrdreg s2  }
0xb2: {  	[dreg:$0x6] =	wrdreg s3  }
0xb3: {  	[dreg:$0x7] =	wrdreg $0xC200  }
0xb4: {  	[dreg:$0x8] =	wrdreg $0xB800  }
0xb5: {  	[dreg:$0x9] =	wrdreg $0xBD00  }
0xb6: {  	[dreg:$0xa] =	wrdreg $0x9  }
0xb7: {  	_ =	task.clear_ibuf [dreg:s8], $0xBFFFF;
	_ =	strace $0x90000046  }
0xb8: {  	s26 =	simm.s32 $0x9;
	_ =	strace $0x80000048  }
0xb9: {  	_ =	swait.ge [sflag:s26], $0x1  }
0xba: {  	[sflag:s26] =	ssyncadd.s32 $0xFFFFFFFF  }
0xbb: {  	_ =	strace $0x90000048  }
0xbc: {  	_ =	sfence  }
0xbd: {  	s28 =	sld [smem:$0x0];
	_ =	sdelay $0x1  }
0xbe: {  	s29 =	srdreg.scid  }
0xbf: {  	s30 =	sshll.u32 s29, $0xD;
	s31 =	sshrl.u32 s29, $0x2  }
0xc0: {  	s1 =	sand.u32 $0x1, s29;
	s2 =	sand.u32 $0x4000, s30;
	s0 =	sadd.s32 s31, s28  }
0xc1: {  	s1 =	sor.u32 s2, s1;
	s0 =	sshll.u32 s0, $0x11  }
0xc2: {  	s0 =	sor.u32 s0, s1  }
0xc3: {  	s0 =	sadd.s32 $0x8F2B, s0  }
0xc4: {  	[sflag:s0] =	ssyncadd.remote.s32 $0x1  }
0xc5: {  	_ =	sfence.sel $0xFFFF  }
0xc6: {  	[dreg:$0x0] =	wrdreg $0xFFFFFFFF;
	(pc) =	sbr.abs _section_cstart, $3  }
0xc7: {  	[dreg:$0x1] =	wrdreg $0xFFFFFFFF  }
0xc8: {  	_ =	task.clear_ibuf [dreg:s8], $0x2FFFF;
	_ =	strace $0x9FFFFFFF  }
0xc9: {  	(tm) =	ssettm $0x7FFFFFFF  }
tec
execute0_lowered:
.L_overlay_start_1:
0x0: {  	(tag) =	ssettag $0x1  }
0x1: {  	s6 =	rddreg [dreg:$0x0]  }
0x2: {  	s7 =	rddreg [dreg:$0x1]  }
0x3: {  	s10 =	rddreg [dreg:$0x2]  }
0x4: {  	s9 =	rddreg [dreg:$0x3]  }
0x5: {  	s1 =	rddreg [dreg:$0x4]  }
0x6: {  	s2 =	rddreg [dreg:$0x5]  }
0x7: {  	s4 =	rddreg [dreg:$0x6];
	s5 =	stileid.u32  }
0x8: {  	s3 =	rddreg [dreg:$0x7];
	s13 =	smul.u32 $0x50, s5  }
0x9: {  	s0 =	rddreg [dreg:$0x8];
	s8 =	simm.s32 $0x0  }
0xa: {  	[smem:$0x7FF] =	sst s8;
	s11 =	sadd.s32 s13, s6  }
0xb: {  	s31 =	simm.s32 $0x1;
	_ =	strace $0x80000047;
	s11 =	sadd.s32 $0xE00, s11  }
0xc: {  	[tilespmem:s8], [sflag:$0x1] =	stream.linear.gather [hbm4b:s11+s8], $0x280, $0x38;
	[tilespmem:$0x1728] =	vst v63  }
0xd: {  	p0 =	seq.s32 s5, $0xF;
	_ =	swait.ge [sflag:s31], $0x280  }
0xe: {  	s12 =	simm.s32 @p0 $0x0;
	[sflag:s31] =	ssyncset.done $0x0  }
0xf: {  	s14 =	simm.s32 @p0 $0x280;
	s11 =	sadd.s32 @p0 $0x4B0, s7;
	[sflag:s31] =	ssyncadd.s32 $0xFFFFFD80  }
0x10: {  	[tilespmem:s14], [sflag:$0x1] =	stream.linear.gather @p0 [hbm4b:s11+s12], $0x190, $0x38;
	[tilespmem:$0x1728] =	vst v63  }
0x11: {  	s11 =	simm.s32 @p0 $0x1  }
0x12: {  	_ =	swait.ge @p0 [sflag:s11], $0x190  }
0x13: {  	s7 =	sadd.s32 @!p0 s7, s13;
	[sflag:s11] =	ssyncset.done @p0 $0x0  }
0x14: {  	s12 =	simm.s32 @!p0 $0x280;
	[sflag:s11] =	ssyncadd.s32 @p0 $0xFFFFFE70;
	s11 =	simm.s32 @!p0 $0x0  }
0x15: {  	[tilespmem:s12], [sflag:$0x1] =	stream.linear.gather @!p0 [hbm4b:s7+s11], $0x280, $0x38;
	[tilespmem:$0x1728] =	vst v63  }
0x16: {  	s7 =	simm.s32 @!p0 $0x1  }
0x17: {  	_ =	swait.ge @!p0 [sflag:s7], $0x280  }
0x18: {  	[sflag:s7] =	ssyncset.done @!p0 $0x0  }
0x19: {  	v0 =	vimm.f32 $0.0e+00;
	[sflag:s7] =	ssyncadd.s32 @!p0 $0xFFFFFD80  }
0x1a: {  	[tilespmem:$0x500] =	vst v0  }
0x1b: {  	[tilespmem:$0x580] =	vst v0  }
0x1c: {  	[tilespmem:$0x510] =	vst v0  }
0x1d: {  	s15 =	simm.s32 @!p0 $0x28;
	[tilespmem:$0x590] =	vst v0  }
0x1e: {  	s15 =	simm.s32 @p0 $0x19;
	[tilespmem:$0x520] =	vst v0  }
0x1f: {  	p1 =	sne.s32 s15, $0x1;
	[tilespmem:$0x5A0] =	vst v0  }
.Ltmp0:
0x20: {  	[tilespmem:$0x530] =	vst v0;
	(pc) =	sbr.rel @!p1 .LBB2_1-.Ltmp0, $4  }
0x21: {  	[tilespmem:$0x5B0] =	vst v0  }
0x22: {  	s16 =	simm.s32 $0x280;
	s15 =	sadd.s32 $0xFFFFFFFF, s15;
	s14 =	simm.s32 $0x580;
	[tilespmem:$0x540] =	vst v0  }
0x23: {  	s12 =	sadd.s32 $0xA00, s6;
	s11 =	sadd.s32 $0xC00, s6;
	s6 =	sadd.s32 s13, s4;
	[tilespmem:$0x5C0] =	vst v0  }
0x24: {  	s7 =	sadd.s32 s13, s3;
	s13 =	simm.s32 $0x500;
	p0 =	por $0x0, $0x0;
	v0 =	vimm.f32 $1.000000000e+00;
	v1 =	vld [tilespmem:s16+$0x0]  }
0x25: {  	_ =	sdelay $0x2  }
0x26: {  	v2 =	vld [tilespmem:s8+$0x0];
	_ =	sdelay $0x2  }
0x27: {  	p1 =	sne.s32 s15, $0x1  }
.Ltmp1:
0x28: {  	_ = 	snop;
	(pc) =	sbr.rel @!p1 .LBB2_3-.Ltmp1, $4  }
0x29: {  	[tilespmem:v1+s13+$0x0] =	vst.idx.add.f32.msk $0xffff, v2  }
0x2a: {  	s16 =	simm.s32 $0x290;
	[tilespmem:v1+s14+$0x0] =	vst.idx.add.f32.msk $0xffff, v0  }
0x2b: {  	v1 =	vld [tilespmem:s16+$0x0]  }
0x2c: {  	s17 =	sadd.s32 $0xFFFFFFFF, s15;
	p0 =	por $0x1, $0x1;
	s15 =	simm.s32 $0x0  }
.LBB2_4:
0x2d: {  	p1 =	sne.s32 s17, $0x1;
	s15 =	sadd.s32 $0x10, s15  }
0x2e: {  	v2 =	vld [tilespmem:s15+$0x0];
	_ =	sdelay $0x3  }
.Ltmp2:
0x2f: {  	(pc) =	sbr.rel @p1 .LBB2_4-.Ltmp2, $4  }
0x30: {  	[tilespmem:v1+s13+$0x0] =	vst.idx.add.f32.msk $0xffff, v2  }
0x31: {  	s16 =	sadd.s32 $0x10, s16;
	[tilespmem:v1+s14+$0x0] =	vst.idx.add.f32.msk $0xffff, v0  }
0x32: {  	v1 =	vld [tilespmem:s16+$0x0]  }
0x33: {  	s17 =	sadd.s32 $0xFFFFFFFF, s17  }
.LBB2_5:
0x34: {  	s15 =	sadd.s32 @p0 $0x10, s15  }
0x35: {  	s8 =	smov.u32 @p0 s15  }
0x36: {  	v2 =	vld [tilespmem:s8+$0x0]  }
0x37: {  	p0 =	sne.s32 s5, $0xF  }
.Ltmp3:
0x38: {  	_ = 	snop;
	(pc) =	sbr.rel @p0 .LBB2_7-.Ltmp3, $3  }
0x39: {  	_ =	sdelay $0x1  }
0x3a: {  	[tilespmem:v1+s13+$0x0] =	vst.idx.add.f32.msk $0xffff, v2  }
0x3b: {  	[tilespmem:v1+s14+$0x0] =	vst.idx.add.f32.msk $0xffff, v0  }
0x3c: {  	s13 =	simm.s32 $0x0;
	s8 =	simm.s32 $0x600;
	s26 =	simm.s32 $0x1  }
0x3d: {  	[tilespmem:s8], [sflag:$0x1] =	stream.linear.gather [hbm4b:s12+s13], $0x200, $0x38;
	[tilespmem:$0x1728] =	vst v63  }
0x3e: {  	_ =	swait.ge [sflag:s26], $0x200  }
0x3f: {  	[sflag:s26] =	ssyncset.done $0x0  }
0x40: {  	s28 =	simm.s32 $0x800;
	[sflag:s26] =	ssyncadd.s32 $0xFFFFFE00  }
0x41: {  	[tilespmem:s28], [sflag:$0x1] =	stream.linear.gather [hbm4b:s11+s13], $0x200, $0x38;
	[tilespmem:$0x1728] =	vst v63  }
0x42: {  	_ =	swait.ge [sflag:s26], $0x200  }
0x43: {  	[sflag:s26] =	ssyncset.done $0x0  }
0x44: {  	s29 =	simm.s32 $0xA00;
	[sflag:s26] =	ssyncadd.s32 $0xFFFFFE00  }
0x45: {  	[tilespmem:s29], [sflag:$0x1] =	stream.linear.gather [hbm4b:s10+s13], $0x10, $0x38;
	[tilespmem:$0x1728] =	vst v63  }
0x46: {  	_ =	swait.ge [sflag:s26], $0x10  }
0x47: {  	[sflag:s26] =	ssyncset.done $0x0  }
0x48: {  	s30 =	simm.s32 $0xA80;
	[sflag:s26] =	ssyncadd.s32 $0xFFFFFFF0  }
0x49: {  	[tilespmem:s30], [sflag:$0x1] =	stream.linear.gather [hbm4b:s9+s13], $0x1, $0x38;
	[tilespmem:$0x1728] =	vst v63  }
0x4a: {  	_ =	swait.ge [sflag:s26], $0x1  }
0x4b: {  	[sflag:s26] =	ssyncset.done $0x0  }
0x4c: {  	[sflag:s26] =	ssyncadd.s32 $0xFFFFFFFF  }
0x4d: {  	v0 =	vld [tilespmem:$0xA00]  }
0x4e: {  	v2 =	vld [tilespmem:$0x600]  }
0x4f: {  	v3 =	vld [tilespmem:$0x800];
	_ =	sdelay $0x2  }
0x50: {  	v1 =	vlaneseq.u32;
	v4 =	vimm.f32 $0.0e+00  }
0x51: {  	v5 =	vand.u32 $0x7, v1;
	v1 =	vshrl.u32 v1, $0x3;
	[tilespmem:$0xB00] =	vst v4  }
0x52: {  	[tilespmem:$0xB10] =	vst v4;
	v0 =	vperm.xlane v0, v5;
	v2 =	vsub.f32 v2, v3  }
0x53: {  	[tilespmem:$0xB20] =	vst v4  }
0x54: {  	[tilespmem:$0xB30] =	vst v4;
	v2 =	vmul.f32 v2, v0  }
0x55: {  	s31 =	simm.s32 $0xB00;
	[tilespmem:$0xB40] =	vst v4  }
0x56: {  	[tilespmem:v1+s31+$0x0] =	vst.idx.add.f32.msk $0xffff, v2  }
0x57: {  	v2 =	vld [tilespmem:$0x610]  }
0x58: {  	v55 =	vld [tilespmem:$0x810];
	_ =	sdelay $0x3  }
0x59: {  	v56 =	vor.u32 $0x2, v1  }
0x5a: {  	v2 =	vsub.f32 v2, v55;
	_ =	sdelay $0x1  }
0x5b: {  	v2 =	vmul.f32 v2, v0;
	_ =	sdelay $0x1  }
0x5c: {  	[tilespmem:v56+s31+$0x0] =	vst.idx.add.f32.msk $0xffff, v2  }
0x5d: {  	v2 =	vld [tilespmem:$0x620]  }
0x5e: {  	v57 =	vld [tilespmem:$0x820];
	_ =	sdelay $0x3  }
0x5f: {  	v58 =	vor.u32 $0x4, v1  }
0x60: {  	v2 =	vsub.f32 v2, v57;
	_ =	sdelay $0x1  }
0x61: {  	v2 =	vmul.f32 v2, v0;
	_ =	sdelay $0x1  }
0x62: {  	[tilespmem:v58+s31+$0x0] =	vst.idx.add.f32.msk $0xffff, v2  }
0x63: {  	v2 =	vld [tilespmem:$0x630]  }
0x64: {  	v59 =	vld [tilespmem:$0x830];
	_ =	sdelay $0x3  }
0x65: {  	v60 =	vor.u32 $0x6, v1  }
0x66: {  	v2 =	vsub.f32 v2, v59;
	_ =	sdelay $0x1  }
0x67: {  	v2 =	vmul.f32 v2, v0;
	_ =	sdelay $0x1  }
0x68: {  	[tilespmem:v60+s31+$0x0] =	vst.idx.add.f32.msk $0xffff, v2  }
0x69: {  	v2 =	vld [tilespmem:$0x640]  }
0x6a: {  	v61 =	vld [tilespmem:$0x840];
	_ =	sdelay $0x3  }
0x6b: {  	v62 =	vor.u32 $0x8, v1  }
0x6c: {  	v2 =	vsub.f32 v2, v61;
	_ =	sdelay $0x1  }
0x6d: {  	v2 =	vmul.f32 v2, v0;
	_ =	sdelay $0x1  }
0x6e: {  	[tilespmem:v62+s31+$0x0] =	vst.idx.add.f32.msk $0xffff, v2  }
0x6f: {  	v2 =	vld [tilespmem:$0x650]  }
0x70: {  	v63 =	vld [tilespmem:$0x850];
	_ =	sdelay $0x3  }
0x71: {  	v8 =	vor.u32 $0xA, v1  }
0x72: {  	v2 =	vsub.f32 v2, v63;
	_ =	sdelay $0x1  }
0x73: {  	v2 =	vmul.f32 v2, v0;
	_ =	sdelay $0x1  }
0x74: {  	[tilespmem:v8+s31+$0x0] =	vst.idx.add.f32.msk $0xffff, v2  }
0x75: {  	v2 =	vld [tilespmem:$0x660]  }
0x76: {  	v9 =	vld [tilespmem:$0x860];
	_ =	sdelay $0x3  }
0x77: {  	v10 =	vor.u32 $0xC, v1  }
0x78: {  	v2 =	vsub.f32 v2, v9;
	_ =	sdelay $0x1  }
0x79: {  	v2 =	vmul.f32 v2, v0;
	_ =	sdelay $0x1  }
0x7a: {  	[tilespmem:v10+s31+$0x0] =	vst.idx.add.f32.msk $0xffff, v2  }
0x7b: {  	v2 =	vld [tilespmem:$0x670]  }
0x7c: {  	v11 =	vld [tilespmem:$0x870];
	_ =	sdelay $0x3  }
0x7d: {  	v12 =	vor.u32 $0xE, v1  }
0x7e: {  	v2 =	vsub.f32 v2, v11;
	_ =	sdelay $0x1  }
0x7f: {  	v2 =	vmul.f32 v2, v0;
	_ =	sdelay $0x1  }
0x80: {  	[tilespmem:v12+s31+$0x0] =	vst.idx.add.f32.msk $0xffff, v2  }
0x81: {  	v2 =	vld [tilespmem:$0x680]  }
0x82: {  	v13 =	vld [tilespmem:$0x880];
	_ =	sdelay $0x3  }
0x83: {  	v14 =	vor.u32 $0x10, v1  }
0x84: {  	v2 =	vsub.f32 v2, v13;
	_ =	sdelay $0x1  }
0x85: {  	v2 =	vmul.f32 v2, v0;
	_ =	sdelay $0x1  }
0x86: {  	[tilespmem:v14+s31+$0x0] =	vst.idx.add.f32.msk $0xffff, v2  }
0x87: {  	v2 =	vld [tilespmem:$0x690]  }
0x88: {  	v15 =	vld [tilespmem:$0x890];
	_ =	sdelay $0x3  }
0x89: {  	v16 =	vor.u32 $0x12, v1  }
0x8a: {  	v2 =	vsub.f32 v2, v15;
	_ =	sdelay $0x1  }
0x8b: {  	v2 =	vmul.f32 v2, v0;
	_ =	sdelay $0x1  }
0x8c: {  	[tilespmem:v16+s31+$0x0] =	vst.idx.add.f32.msk $0xffff, v2  }
0x8d: {  	v2 =	vld [tilespmem:$0x6A0]  }
0x8e: {  	v17 =	vld [tilespmem:$0x8A0];
	_ =	sdelay $0x3  }
0x8f: {  	v18 =	vor.u32 $0x14, v1  }
0x90: {  	v2 =	vsub.f32 v2, v17;
	_ =	sdelay $0x1  }
0x91: {  	v2 =	vmul.f32 v2, v0;
	_ =	sdelay $0x1  }
0x92: {  	[tilespmem:v18+s31+$0x0] =	vst.idx.add.f32.msk $0xffff, v2  }
0x93: {  	v2 =	vld [tilespmem:$0x6B0]  }
0x94: {  	v19 =	vld [tilespmem:$0x8B0];
	_ =	sdelay $0x3  }
0x95: {  	v20 =	vor.u32 $0x16, v1  }
0x96: {  	v2 =	vsub.f32 v2, v19;
	_ =	sdelay $0x1  }
0x97: {  	v2 =	vmul.f32 v2, v0;
	_ =	sdelay $0x1  }
0x98: {  	[tilespmem:v20+s31+$0x0] =	vst.idx.add.f32.msk $0xffff, v2  }
0x99: {  	v2 =	vld [tilespmem:$0x6C0]  }
0x9a: {  	v21 =	vld [tilespmem:$0x8C0];
	_ =	sdelay $0x3  }
0x9b: {  	v22 =	vor.u32 $0x18, v1  }
0x9c: {  	v2 =	vsub.f32 v2, v21;
	_ =	sdelay $0x1  }
0x9d: {  	v2 =	vmul.f32 v2, v0;
	_ =	sdelay $0x1  }
0x9e: {  	[tilespmem:v22+s31+$0x0] =	vst.idx.add.f32.msk $0xffff, v2  }
0x9f: {  	v2 =	vld [tilespmem:$0x6D0]  }
0xa0: {  	v23 =	vld [tilespmem:$0x8D0];
	_ =	sdelay $0x3  }
0xa1: {  	v24 =	vor.u32 $0x1A, v1  }
0xa2: {  	v2 =	vsub.f32 v2, v23;
	_ =	sdelay $0x1  }
0xa3: {  	v2 =	vmul.f32 v2, v0;
	_ =	sdelay $0x1  }
0xa4: {  	[tilespmem:v24+s31+$0x0] =	vst.idx.add.f32.msk $0xffff, v2  }
0xa5: {  	v2 =	vld [tilespmem:$0x6E0]  }
0xa6: {  	v25 =	vld [tilespmem:$0x8E0];
	_ =	sdelay $0x3  }
0xa7: {  	v26 =	vor.u32 $0x1C, v1  }
0xa8: {  	v2 =	vsub.f32 v2, v25;
	_ =	sdelay $0x1  }
0xa9: {  	v2 =	vmul.f32 v2, v0;
	_ =	sdelay $0x1  }
0xaa: {  	[tilespmem:v26+s31+$0x0] =	vst.idx.add.f32.msk $0xffff, v2  }
0xab: {  	v2 =	vld [tilespmem:$0x6F0]  }
0xac: {  	v27 =	vld [tilespmem:$0x8F0];
	_ =	sdelay $0x3  }
0xad: {  	v28 =	vor.u32 $0x1E, v1  }
0xae: {  	v2 =	vsub.f32 v2, v27;
	_ =	sdelay $0x1  }
0xaf: {  	v2 =	vmul.f32 v2, v0;
	_ =	sdelay $0x1  }
0xb0: {  	[tilespmem:v28+s31+$0x0] =	vst.idx.add.f32.msk $0xffff, v2  }
0xb1: {  	v2 =	vld [tilespmem:$0x700]  }
0xb2: {  	v29 =	vld [tilespmem:$0x900];
	_ =	sdelay $0x3  }
0xb3: {  	v30 =	vor.u32 $0x20, v1  }
0xb4: {  	v2 =	vsub.f32 v2, v29;
	_ =	sdelay $0x1  }
0xb5: {  	v2 =	vmul.f32 v2, v0;
	_ =	sdelay $0x1  }
0xb6: {  	[tilespmem:v30+s31+$0x0] =	vst.idx.add.f32.msk $0xffff, v2  }
0xb7: {  	v2 =	vld [tilespmem:$0x710]  }
0xb8: {  	v31 =	vld [tilespmem:$0x910];
	_ =	sdelay $0x3  }
0xb9: {  	v32 =	vor.u32 $0x22, v1  }
0xba: {  	v2 =	vsub.f32 v2, v31;
	_ =	sdelay $0x1  }
0xbb: {  	v2 =	vmul.f32 v2, v0;
	_ =	sdelay $0x1  }
0xbc: {  	[tilespmem:v32+s31+$0x0] =	vst.idx.add.f32.msk $0xffff, v2  }
0xbd: {  	v2 =	vld [tilespmem:$0x720]  }
0xbe: {  	v33 =	vld [tilespmem:$0x920];
	_ =	sdelay $0x3  }
0xbf: {  	v34 =	vor.u32 $0x24, v1  }
0xc0: {  	v2 =	vsub.f32 v2, v33;
	_ =	sdelay $0x1  }
0xc1: {  	v2 =	vmul.f32 v2, v0;
	_ =	sdelay $0x1  }
0xc2: {  	[tilespmem:v34+s31+$0x0] =	vst.idx.add.f32.msk $0xffff, v2  }
0xc3: {  	v2 =	vld [tilespmem:$0x730]  }
0xc4: {  	v35 =	vld [tilespmem:$0x930];
	_ =	sdelay $0x3  }
0xc5: {  	v36 =	vor.u32 $0x26, v1  }
0xc6: {  	v2 =	vsub.f32 v2, v35;
	_ =	sdelay $0x1  }
0xc7: {  	v2 =	vmul.f32 v2, v0;
	_ =	sdelay $0x1  }
0xc8: {  	[tilespmem:v36+s31+$0x0] =	vst.idx.add.f32.msk $0xffff, v2  }
0xc9: {  	v2 =	vld [tilespmem:$0x740]  }
0xca: {  	v37 =	vld [tilespmem:$0x940];
	_ =	sdelay $0x3  }
0xcb: {  	v38 =	vor.u32 $0x28, v1  }
0xcc: {  	v2 =	vsub.f32 v2, v37;
	_ =	sdelay $0x1  }
0xcd: {  	v2 =	vmul.f32 v2, v0;
	_ =	sdelay $0x1  }
0xce: {  	[tilespmem:v38+s31+$0x0] =	vst.idx.add.f32.msk $0xffff, v2  }
0xcf: {  	v2 =	vld [tilespmem:$0x750]  }
0xd0: {  	v39 =	vld [tilespmem:$0x950];
	_ =	sdelay $0x3  }
0xd1: {  	v40 =	vor.u32 $0x2A, v1  }
0xd2: {  	v2 =	vsub.f32 v2, v39;
	_ =	sdelay $0x1  }
0xd3: {  	v2 =	vmul.f32 v2, v0;
	_ =	sdelay $0x1  }
0xd4: {  	[tilespmem:v40+s31+$0x0] =	vst.idx.add.f32.msk $0xffff, v2  }
0xd5: {  	v2 =	vld [tilespmem:$0x760]  }
0xd6: {  	v41 =	vld [tilespmem:$0x960];
	_ =	sdelay $0x3  }
0xd7: {  	v42 =	vor.u32 $0x2C, v1  }
0xd8: {  	v2 =	vsub.f32 v2, v41;
	_ =	sdelay $0x1  }
0xd9: {  	v2 =	vmul.f32 v2, v0;
	_ =	sdelay $0x1  }
0xda: {  	[tilespmem:v42+s31+$0x0] =	vst.idx.add.f32.msk $0xffff, v2  }
0xdb: {  	v2 =	vld [tilespmem:$0x770]  }
0xdc: {  	v43 =	vld [tilespmem:$0x970];
	_ =	sdelay $0x3  }
0xdd: {  	v44 =	vor.u32 $0x2E, v1  }
0xde: {  	v2 =	vsub.f32 v2, v43;
	_ =	sdelay $0x1  }
0xdf: {  	v2 =	vmul.f32 v2, v0;
	_ =	sdelay $0x1  }
0xe0: {  	[tilespmem:v44+s31+$0x0] =	vst.idx.add.f32.msk $0xffff, v2  }
0xe1: {  	v2 =	vld [tilespmem:$0x780]  }
0xe2: {  	v45 =	vld [tilespmem:$0x980];
	_ =	sdelay $0x3  }
0xe3: {  	v46 =	vor.u32 $0x30, v1  }
0xe4: {  	v2 =	vsub.f32 v2, v45;
	_ =	sdelay $0x1  }
0xe5: {  	v2 =	vmul.f32 v2, v0;
	_ =	sdelay $0x1  }
0xe6: {  	[tilespmem:v46+s31+$0x0] =	vst.idx.add.f32.msk $0xffff, v2  }
0xe7: {  	v2 =	vld [tilespmem:$0x790]  }
0xe8: {  	v47 =	vld [tilespmem:$0x990];
	_ =	sdelay $0x3  }
0xe9: {  	v48 =	vor.u32 $0x32, v1  }
0xea: {  	v2 =	vsub.f32 v2, v47;
	_ =	sdelay $0x1  }
0xeb: {  	v2 =	vmul.f32 v2, v0;
	_ =	sdelay $0x1  }
0xec: {  	[tilespmem:v48+s31+$0x0] =	vst.idx.add.f32.msk $0xffff, v2  }
0xed: {  	v2 =	vld [tilespmem:$0x7A0]  }
0xee: {  	v49 =	vld [tilespmem:$0x9A0];
	_ =	sdelay $0x3  }
0xef: {  	v50 =	vor.u32 $0x34, v1  }
0xf0: {  	v2 =	vsub.f32 v2, v49;
	_ =	sdelay $0x1  }
0xf1: {  	v2 =	vmul.f32 v2, v0;
	_ =	sdelay $0x1  }
0xf2: {  	[tilespmem:v50+s31+$0x0] =	vst.idx.add.f32.msk $0xffff, v2  }
0xf3: {  	v2 =	vld [tilespmem:$0x7B0]  }
0xf4: {  	v51 =	vld [tilespmem:$0x9B0];
	_ =	sdelay $0x3  }
0xf5: {  	v52 =	vor.u32 $0x36, v1  }
0xf6: {  	v2 =	vsub.f32 v2, v51;
	_ =	sdelay $0x1  }
0xf7: {  	v2 =	vmul.f32 v2, v0;
	_ =	sdelay $0x1  }
0xf8: {  	[tilespmem:v52+s31+$0x0] =	vst.idx.add.f32.msk $0xffff, v2  }
0xf9: {  	v2 =	vld [tilespmem:$0x7C0]  }
0xfa: {  	v53 =	vld [tilespmem:$0x9C0];
	_ =	sdelay $0x3  }
0xfb: {  	v54 =	vor.u32 $0x38, v1  }
0xfc: {  	v2 =	vsub.f32 v2, v53;
	_ =	sdelay $0x1  }
0xfd: {  	v2 =	vmul.f32 v2, v0;
	_ =	sdelay $0x1  }
0xfe: {  	[tilespmem:v54+s31+$0x0] =	vst.idx.add.f32.msk $0xffff, v2  }
0xff: {  	v2 =	vld [tilespmem:$0x7D0]  }
0x100: {  	v55 =	vld [tilespmem:$0x9D0];
	_ =	sdelay $0x3  }
0x101: {  	v56 =	vor.u32 $0x3A, v1  }
0x102: {  	v2 =	vsub.f32 v2, v55;
	_ =	sdelay $0x1  }
0x103: {  	v2 =	vmul.f32 v2, v0;
	_ =	sdelay $0x1  }
0x104: {  	[tilespmem:v56+s31+$0x0] =	vst.idx.add.f32.msk $0xffff, v2  }
0x105: {  	v2 =	vld [tilespmem:$0x7E0]  }
0x106: {  	v57 =	vld [tilespmem:$0x9E0];
	_ =	sdelay $0x3  }
0x107: {  	v58 =	vor.u32 $0x3C, v1  }
0x108: {  	v2 =	vsub.f32 v2, v57;
	_ =	sdelay $0x1  }
0x109: {  	v2 =	vmul.f32 v2, v0;
	_ =	sdelay $0x1  }
0x10a: {  	[tilespmem:v58+s31+$0x0] =	vst.idx.add.f32.msk $0xffff, v2  }
0x10b: {  	v2 =	vld [tilespmem:$0x7F0]  }
0x10c: {  	v59 =	vld [tilespmem:$0x9F0];
	_ =	sdelay $0x3  }
0x10d: {  	v1 =	vor.u32 $0x3E, v1  }
0x10e: {  	v2 =	vsub.f32 v2, v59;
	_ =	sdelay $0x1  }
0x10f: {  	v0 =	vmul.f32 v2, v0;
	_ =	sdelay $0x1  }
0x110: {  	[tilespmem:v1+s31+$0x0] =	vst.idx.add.f32.msk $0xffff, v0  }
0x111: {  	v0 =	vld [tilespmem:$0xA80];
	_ =	sdelay $0x1  }
0x112: {  	v1 =	vld [tilespmem:$0xB00]  }
0x113: {  	v60 =	vld [tilespmem:$0xB10]  }
0x114: {  	v61 =	vimm.s32 $0x0;
	v4 =	vld [tilespmem:$0xB20]  }
0x115: {  	v62 =	vld [tilespmem:$0xB30];
	v0 =	vperm.xlane v0, v61;
	_ =	sdelay $0x1  }
0x116: {  	v1 =	vadd.f32 v1, v0  }
0x117: {  	v2 =	vadd.f32 v60, v0  }
0x118: {  	v63 =	vadd.f32 v4, v0;
	[tilespmem:$0xB00] =	vst v1  }
0x119: {  	v0 =	vadd.f32 v62, v0;
	[tilespmem:$0xB10] =	vst v2  }
0x11a: {  	[tilespmem:$0xB20] =	vst v63  }
0x11b: {  	[tilespmem:$0xB30] =	vst v0  }
0x11c: {  	[spmem:s2] =	stream.linear.scatter [tilespmem:s31], [sflag:$0x1], $0x80, $0x38;
	[tilespmem:$0x1728] =	vst v63  }
0x11d: {  	_ =	swait.ge [sflag:s26], $0x80  }
0x11e: {  	[sflag:s26] =	ssyncset.done $0x0  }
0x11f: {  	[sflag:s26] =	ssyncadd.s32 $0xFFFFFF80  }
.LBB2_7:
0x120: {  	s8 =	simm.s32 $0x500  }
0x121: {  	[spmem:s6] =	stream.linear.scatter [tilespmem:s8], [sflag:$0x1], $0x50, $0x38;
	[tilespmem:$0x1728] =	vst v63  }
0x122: {  	s6 =	simm.s32 $0x1  }
0x123: {  	_ =	swait.ge [sflag:s6], $0x50  }
0x124: {  	[sflag:s6] =	ssyncset.done $0x0  }
0x125: {  	s31 =	simm.s32 $0x580;
	[sflag:s6] =	ssyncadd.s32 $0xFFFFFFB0  }
0x126: {  	[spmem:s7] =	stream.linear.scatter [tilespmem:s31], [sflag:$0x1], $0x50, $0x38;
	[tilespmem:$0x1728] =	vst v63  }
0x127: {  	_ =	swait.ge [sflag:s6], $0x50  }
0x128: {  	[sflag:s6] =	ssyncset.done $0x0  }
0x129: {  	[sflag:s6] =	ssyncadd.s32 $0xFFFFFFB0  }
0x12a: {  	p0 =	sne.s32 s5, $0x0;
	[bflag:$0x0] =	sbarrier.arrive $0xFFFF  }
0x12b: {  	_ =	sfence.sel @p0 $0x180000  }
0x12c: {  	[bflag:$0x0] =	sbarrier.arrive @p0 $0xFFFF  }
0x12d: {  	_ =	strace @p0 $0x90000047  }
0x12e: {  	[bflag:$0x2] =	sbarrier.arrive @p0 $0xFFFF  }
0x12f: {  	_ =	shalt @p0  }
.LBB2_8:
0x130: {  	s5 =	simm.s32 $0xC28  }
0x131: {  	[tilespmem:s5], [sflag:$0x1] =	stream.linear.gather [spmem:s4], $0x500, $0x38;
	[tilespmem:$0x1728] =	vst v63  }
0x132: {  	_ =	swait.ge [sflag:s6], $0x500  }
0x133: {  	[sflag:s6] =	ssyncset.done $0x0  }
0x134: {  	s28 =	simm.s32 $0x1128;
	[sflag:s6] =	ssyncadd.s32 $0xFFFFFB00  }
0x135: {  	[tilespmem:s28], [sflag:$0x1] =	stream.linear.gather [spmem:s3], $0x500, $0x38;
	[tilespmem:$0x1728] =	vst v63  }
0x136: {  	_ =	swait.ge [sflag:s6], $0x500  }
0x137: {  	[sflag:s6] =	ssyncset.done $0x0  }
0x138: {  	s29 =	simm.s32 $0x1628;
	[sflag:s6] =	ssyncadd.s32 $0xFFFFFB00  }
0x139: {  	[tilespmem:s29], [sflag:$0x1] =	stream.linear.gather [spmem:s2], $0x80, $0x38;
	[tilespmem:$0x1728] =	vst v63  }
0x13a: {  	_ =	swait.ge [sflag:s6], $0x80  }
0x13b: {  	[sflag:s6] =	ssyncset.done $0x0  }
0x13c: {  	[sflag:s6] =	ssyncadd.s32 $0xFFFFFF80  }
0x13d: {  	v7 =	vld [tilespmem:$0xC28]  }
0x13e: {  	v3 =	vld [tilespmem:$0x1128]  }
0x13f: {  	v8 =	vld [tilespmem:$0xC78]  }
0x140: {  	v9 =	vld [tilespmem:$0x1178]  }
0x141: {  	v10 =	vld [tilespmem:$0xCC8]  }
0x142: {  	v11 =	vld [tilespmem:$0x11C8]  }
0x143: {  	v12 =	vld [tilespmem:$0xD18]  }
0x144: {  	v13 =	vld [tilespmem:$0x1218]  }
0x145: {  	v14 =	vld [tilespmem:$0xD68]  }
0x146: {  	v15 =	vld [tilespmem:$0x1268]  }
0x147: {  	v16 =	vld [tilespmem:$0xDB8]  }
0x148: {  	v17 =	vld [tilespmem:$0x12B8]  }
0x149: {  	v18 =	vld [tilespmem:$0xE08]  }
0x14a: {  	v19 =	vld [tilespmem:$0x1308]  }
0x14b: {  	v20 =	vld [tilespmem:$0xE58]  }
0x14c: {  	v21 =	vld [tilespmem:$0x1358]  }
0x14d: {  	v22 =	vld [tilespmem:$0xEA8]  }
0x14e: {  	v23 =	vld [tilespmem:$0x13A8]  }
0x14f: {  	v24 =	vld [tilespmem:$0xEF8]  }
0x150: {  	v25 =	vld [tilespmem:$0x13F8]  }
0x151: {  	v26 =	vld [tilespmem:$0xF48]  }
0x152: {  	v27 =	vld [tilespmem:$0x1448]  }
0x153: {  	v28 =	vld [tilespmem:$0xF98]  }
0x154: {  	v29 =	vld [tilespmem:$0x1498]  }
0x155: {  	v30 =	vld [tilespmem:$0xFE8]  }
0x156: {  	v31 =	vld [tilespmem:$0x14E8]  }
0x157: {  	v2 =	vld [tilespmem:$0x1038]  }
0x158: {  	v32 =	vld [tilespmem:$0x1538]  }
0x159: {  	v1 =	vld [tilespmem:$0x1088]  }
0x15a: {  	v33 =	vld [tilespmem:$0x1588]  }
0x15b: {  	v0 =	vld [tilespmem:$0x10D8]  }
0x15c: {  	v34 =	vld [tilespmem:$0x15D8]  }
0x15d: {  	v35 =	vld [tilespmem:$0xC38]  }
0x15e: {  	v36 =	vld [tilespmem:$0x1138]  }
0x15f: {  	v37 =	vld [tilespmem:$0xC88]  }
0x160: {  	v38 =	vld [tilespmem:$0x1188]  }
0x161: {  	v39 =	vld [tilespmem:$0xCD8]  }
0x162: {  	v40 =	vld [tilespmem:$0x11D8]  }
0x163: {  	v41 =	vld [tilespmem:$0xD28]  }
0x164: {  	v42 =	vld [tilespmem:$0x1228]  }
0x165: {  	v43 =	vld [tilespmem:$0xD78]  }
0x166: {  	v44 =	vld [tilespmem:$0x1278]  }
0x167: {  	v45 =	vld [tilespmem:$0xDC8]  }
0x168: {  	v46 =	vld [tilespmem:$0x12C8]  }
0x169: {  	v47 =	vld [tilespmem:$0xE18]  }
0x16a: {  	v48 =	vld [tilespmem:$0x1318]  }
0x16b: {  	v49 =	vld [tilespmem:$0xE68]  }
0x16c: {  	v50 =	vld [tilespmem:$0x1368]  }
0x16d: {  	v51 =	vld [tilespmem:$0xEB8]  }
0x16e: {  	v52 =	vld [tilespmem:$0x13B8]  }
0x16f: {  	v53 =	vld [tilespmem:$0xF08]  }
0x170: {  	v54 =	vld [tilespmem:$0x1408]  }
0x171: {  	v55 =	vld [tilespmem:$0xF58]  }
0x172: {  	v56 =	vld [tilespmem:$0x1458]  }
0x173: {  	v57 =	vld [tilespmem:$0xFA8]  }
0x174: {  	v58 =	vld [tilespmem:$0x14A8]  }
0x175: {  	v6 =	vld [tilespmem:$0xFF8]  }
0x176: {  	v59 =	vld [tilespmem:$0x14F8]  }
0x177: {  	v5 =	vld [tilespmem:$0x1048]  }
0x178: {  	v60 =	vld [tilespmem:$0x1548]  }
0x179: {  	v4 =	vld [tilespmem:$0x1098]  }
0x17a: {  	v61 =	vld [tilespmem:$0x1598]  }
0x17b: {  	v62 =	vld [tilespmem:$0xC48];
	v3 =	vadd.f32 $0.0e+00, v3  }
0x17c: {  	v7 =	vadd.f32 $0.0e+00, v7;
	v63 =	vadd.f32 $0.0e+00, v36;
	v36 =	vld [tilespmem:$0xD38]  }
0x17d: {  	v9 =	vadd.f32 v9, v3;
	v3 =	vld [tilespmem:$0x10E8]  }
0x17e: {  	v7 =	vadd.f32 v8, v7;
	v8 =	vld [tilespmem:$0xC98]  }
0x17f: {  	v9 =	vadd.f32 v11, v9;
	v11 =	vld [tilespmem:$0x15E8]  }
0x180: {  	v7 =	vadd.f32 v10, v7;
	v10 =	vld [tilespmem:$0xCE8]  }
0x181: {  	v9 =	vadd.f32 v13, v9;
	v13 =	vld [tilespmem:$0x1148]  }
0x182: {  	v7 =	vadd.f32 v12, v7;
	v12 =	vadd.f32 v38, v63;
	v63 =	vld [tilespmem:$0x11A8]  }
0x183: {  	v9 =	vadd.f32 v15, v9;
	v15 =	vld [tilespmem:$0x1198]  }
0x184: {  	v7 =	vadd.f32 v14, v7;
	v14 =	vld [tilespmem:$0xD88]  }
0x185: {  	v12 =	vadd.f32 v40, v12;
	v40 =	vld [tilespmem:$0x11F8]  }
0x186: {  	v9 =	vadd.f32 v17, v9;
	v17 =	vld [tilespmem:$0x11E8]  }
0x187: {  	v7 =	vadd.f32 v16, v7;
	v16 =	vld [tilespmem:$0xDD8];
	v12 =	vadd.f32 v42, v12  }
0x188: {  	v42 =	vadd.f32 $0.0e+00, v35;
	v35 =	vld [tilespmem:$0x1328];
	v13 =	vadd.f32 $0.0e+00, v13  }
0x189: {  	v9 =	vadd.f32 v19, v9;
	v19 =	vld [tilespmem:$0x1238];
	v7 =	vadd.f32 v18, v7  }
0x18a: {  	v18 =	vld [tilespmem:$0xE28];
	v12 =	vadd.f32 v44, v12;
	v13 =	vadd.f32 v15, v13  }
0x18b: {  	v44 =	vld [tilespmem:$0x1298];
	v9 =	vadd.f32 v21, v9;
	v7 =	vadd.f32 v20, v7  }
0x18c: {  	v21 =	vld [tilespmem:$0x1288];
	v12 =	vadd.f32 v46, v12;
	v13 =	vadd.f32 v17, v13  }
0x18d: {  	v20 =	vld [tilespmem:$0xE78];
	v9 =	vadd.f32 v23, v9;
	v7 =	vadd.f32 v22, v7  }
0x18e: {  	v23 =	vld [tilespmem:$0x12D8];
	v12 =	vadd.f32 v48, v12;
	v13 =	vadd.f32 v19, v13  }
0x18f: {  	v46 =	vld [tilespmem:$0x12E8];
	v9 =	vadd.f32 v25, v9;
	v25 =	vadd.f32 v37, v42  }
0x190: {  	v22 =	vld [tilespmem:$0xEC8];
	v7 =	vadd.f32 v24, v7;
	v12 =	vadd.f32 v50, v12  }
0x191: {  	v48 =	vld [tilespmem:$0x1338];
	v13 =	vadd.f32 v21, v13;
	v9 =	vadd.f32 v27, v9  }
0x192: {  	v24 =	vld [tilespmem:$0xF18];
	v25 =	vadd.f32 v39, v25;
	v7 =	vadd.f32 v26, v7  }
0x193: {  	v12 =	vadd.f32 v52, v12;
	v52 =	vld [tilespmem:$0x1158];
	v50 =	vadd.f32 v23, v13  }
0x194: {  	v42 =	vld [tilespmem:$0x1248];
	v9 =	vadd.f32 v29, v9;
	v25 =	vadd.f32 v41, v25  }
0x195: {  	v27 =	vld [tilespmem:$0x1378];
	v7 =	vadd.f32 v28, v7;
	v12 =	vadd.f32 v54, v12  }
0x196: {  	v26 =	vld [tilespmem:$0xF68];
	v9 =	vadd.f32 v31, v9;
	v25 =	vadd.f32 v43, v25  }
0x197: {  	v23 =	vld [tilespmem:$0x1518];
	v7 =	vadd.f32 v30, v7;
	v12 =	vadd.f32 v56, v12  }
0x198: {  	v29 =	vld [tilespmem:$0x13C8];
	v28 =	vadd.f32 $0.0e+00, v52;
	v52 =	vadd.f32 $0.0e+00, v62  }
0x199: {  	v41 =	vld [tilespmem:$0x1558];
	v9 =	vadd.f32 v32, v9;
	v25 =	vadd.f32 v45, v25  }
0x19a: {  	v54 =	vld [tilespmem:$0x13D8];
	v12 =	vadd.f32 v58, v12;
	v28 =	vadd.f32 v63, v28  }
0x19b: {  	v31 =	vld [tilespmem:$0x1418];
	v8 =	vadd.f32 v8, v52;
	v9 =	vadd.f32 v33, v9  }
0x19c: {  	v25 =	vadd.f32 v47, v25;
	v47 =	vld [tilespmem:$0xC58];
	v28 =	vadd.f32 v40, v28  }
0x19d: {  	v43 =	vld [tilespmem:$0x15A8];
	v12 =	vadd.f32 v59, v12;
	v8 =	vadd.f32 v10, v8  }
0x19e: {  	v56 =	vld [tilespmem:$0x1428];
	v25 =	vadd.f32 v49, v25;
	v15 =	vadd.f32 v42, v28  }
0x19f: {  	v62 =	vld [tilespmem:$0x14C8];
	v9 =	vadd.f32 v34, v9;
	v12 =	vadd.f32 v60, v12  }
0x1a0: {  	v49 =	vld [tilespmem:$0xCA8];
	v25 =	vadd.f32 v51, v25;
	v15 =	vadd.f32 v44, v15  }
0x1a1: {  	v12 =	vadd.f32 v61, v12;
	v51 =	vld [tilespmem:$0x1388];
	v28 =	vadd.f32 $0.0e+00, v47  }
0x1a2: {  	v25 =	vadd.f32 v53, v25;
	v53 =	vld [tilespmem:$0xCF8];
	v15 =	vadd.f32 v46, v15  }
0x1a3: {  	v32 =	vld [tilespmem:$0x1468];
	v11 =	vadd.f32 v11, v12;
	v12 =	vadd.f32 v35, v50  }
0x1a4: {  	v25 =	vadd.f32 v55, v25;
	v55 =	vld [tilespmem:$0xD48];
	v15 =	vadd.f32 v48, v15  }
0x1a5: {  	v58 =	vld [tilespmem:$0xD98];
	v17 =	vadd.f32 v49, v28;
	v12 =	vadd.f32 v27, v12  }
0x1a6: {  	v33 =	vld [tilespmem:$0x14B8];
	v25 =	vadd.f32 v57, v25;
	v57 =	vadd.f32 v51, v15  }
0x1a7: {  	v60 =	vld [tilespmem:$0x1478];
	v12 =	vadd.f32 v29, v12;
	v59 =	vadd.f32 v53, v17  }
0x1a8: {  	v8 =	vadd.f32 v36, v8;
	v61 =	vld [tilespmem:$0xDE8];
	v10 =	vadd.f32 v54, v57  }
0x1a9: {  	v63 =	vld [tilespmem:$0xE38];
	v12 =	vadd.f32 v31, v12;
	v15 =	vadd.f32 v55, v59  }
0x1aa: {  	v34 =	vld [tilespmem:$0x1508];
	v8 =	vadd.f32 v14, v8;
	v10 =	vadd.f32 v56, v10  }
0x1ab: {  	v45 =	vld [tilespmem:$0x15F8];
	v12 =	vadd.f32 v32, v12;
	v13 =	vadd.f32 v58, v15  }
0x1ac: {  	v8 =	vadd.f32 v16, v8;
	v27 =	vld [tilespmem:$0xE88];
	v10 =	vadd.f32 v60, v10  }
0x1ad: {  	v28 =	vld [tilespmem:$0x1568];
	v12 =	vadd.f32 v33, v12;
	v13 =	vadd.f32 v61, v13  }
0x1ae: {  	v8 =	vadd.f32 v18, v8;
	v29 =	vld [tilespmem:$0xED8];
	v10 =	vadd.f32 v62, v10  }
0x1af: {  	v31 =	vld [tilespmem:$0x15B8];
	v12 =	vadd.f32 v34, v12;
	v13 =	vadd.f32 v63, v13  }
0x1b0: {  	v8 =	vadd.f32 v20, v8;
	v32 =	vld [tilespmem:$0xF28];
	v10 =	vadd.f32 v23, v10  }
0x1b1: {  	v33 =	vld [tilespmem:$0x1608];
	v12 =	vadd.f32 v41, v12;
	v13 =	vadd.f32 v27, v13  }
0x1b2: {  	v8 =	vadd.f32 v22, v8;
	v34 =	vld [tilespmem:$0xF78];
	v10 =	vadd.f32 v28, v10  }
0x1b3: {  	v35 =	vld [tilespmem:$0xFB8];
	v12 =	vadd.f32 v43, v12;
	v13 =	vadd.f32 v29, v13  }
0x1b4: {  	v36 =	vld [tilespmem:$0xFC8];
	v9 =	vmax.f32 v9, $1.000000000e+00;
	v8 =	vadd.f32 v24, v8;
	v10 =	vadd.f32 v31, v10  }
0x1b5: {  	v40 =	vld [tilespmem:$0x1008];
	(erf) = vrcp.f32 v9;
	v38 =	vadd.f32 v45, v12;
	v39 =	vadd.f32 v32, v13  }
0x1b6: {  	v11 =	vmax.f32 v11, $1.000000000e+00;
	v8 =	vadd.f32 v26, v8;
	v41 =	vld [tilespmem:$0x1018];
	v10 =	vadd.f32 v33, v10  }
0x1b7: {  	(erf) = vrcp.f32 v11;
	v43 =	vld [tilespmem:$0x1058];
	v9 =	vmax.f32 v38, $1.000000000e+00;
	v42 =	vadd.f32 v34, v39  }
0x1b8: {  	v44 =	vld [tilespmem:$0x1068];
	v8 =	vadd.f32 v35, v8;
	(erf) = vrcp.f32 v9;
	v10 =	vmax.f32 v10, $1.000000000e+00  }
0x1b9: {  	v6 =	vadd.f32 v6, v25;
	v45 =	vld [tilespmem:$0x10A8];
	v11 =	vadd.f32 v36, v42;
	(erf) = vrcp.f32 v10  }
0x1ba: {  	v2 =	vadd.f32 v2, v7;
	v47 =	vld [tilespmem:$0x10B8];
	v46 =	vadd.f32 v40, v8  }
0x1bb: {  	v49 =	vld [tilespmem:$0x10F8];
	v5 =	vadd.f32 v5, v6;
	v48 =	vadd.f32 v41, v11  }
0x1bc: {  	v1 =	vadd.f32 v1, v2;
	v51 =	vld [tilespmem:$0x1108];
	v50 =	vadd.f32 v43, v46  }
0x1bd: {  	v53 =	vld [tilespmem:$0x1628];
	v4 =	vadd.f32 v4, v5;
	v52 =	vadd.f32 v44, v48  }
0x1be: {  	v0 =	vadd.f32 v0, v1;
	v54 =	vld [tilespmem:$0x1638];
	v2 =	vadd.f32 v45, v50  }
0x1bf: {  	v55 =	vpop (erf);
	v56 =	vld [tilespmem:$0x1648];
	v3 =	vadd.f32 v3, v4;
	v5 =	vadd.f32 v47, v52  }
0x1c0: {  	v0 =	vmul.f32 v55, v0;
	v58 =	vld [tilespmem:$0x1658];
	v57 =	vpop (erf);
	v2 =	vadd.f32 v49, v2  }
0x1c1: {  	v3 =	vmul.f32 v57, v3;
	v59 =	vpop (erf);
	v5 =	vadd.f32 v51, v5  }
0x1c2: {  	v0 =	vadd.f32 v0, v53;
	v2 =	vmul.f32 v59, v2;
	v60 =	vpop (erf)  }
0x1c3: {  	v1 =	vadd.f32 v3, v54;
	v61 =	vmul.f32 v60, v5  }
0x1c4: {  	[tilespmem:$0x16A8] =	vst v0;
	v62 =	vadd.f32 v2, v56  }
0x1c5: {  	[tilespmem:$0x16B8] =	vst v1;
	v63 =	vadd.f32 v61, v58  }
0x1c6: {  	[tilespmem:$0x16C8] =	vst v62  }
0x1c7: {  	s30 =	simm.s32 $0x0;
	s31 =	simm.s32 $0x16A8;
	[tilespmem:$0x16D8] =	vst v63  }
0x1c8: {  	[hbm4b:s1+s30] =	stream.linear.scatter [tilespmem:s31], [sflag:$0x1], $0x80, $0x38;
	[tilespmem:$0x1728] =	vst v63  }
0x1c9: {  	_ =	swait.ge [sflag:s6], $0x80  }
0x1ca: {  	[sflag:s6] =	ssyncset.done $0x0  }
0x1cb: {  	[sflag:s6] =	ssyncadd.s32 $0xFFFFFF80  }
0x1cc: {  	_ =	sfence.sel $0x180000  }
0x1cd: {  	[bflag:$0x0] =	sbarrier.arrive $0xFFFF  }
0x1ce: {  	_ =	strace $0x90000047  }
0x1cf: {  	s0 =	sadd.s32 $0x100000, s0;
	[bflag:$0x2] =	sbarrier.arrive $0xFFFF  }
0x1d0: {  	[sflag:s0] =	ssyncadd.tile.s32 $0x1;
	_ =	shalt  }
.LBB2_1:
.Ltmp4:
0x1d1: {  	(pc) =	sbr.rel .LBB2_5-.Ltmp4, $2  }
0x1d2: {  	_ =	sdelay $0x2  }
0x1d3: {  	s15 =	simm.s32 $0x0  }
.LBB2_3:
.Ltmp5:
0x1d4: {  	(pc) =	sbr.rel .LBB2_5-.Ltmp5, $2  }
0x1d5: {  	_ =	sdelay $0x2  }
0x1d6: {  	s15 =	simm.s32 $0x0  }
.Lfunc_end2:
_tile_overlayer_lowered:
.L_overlay_start_2:
0x1d7: {  	(tag) =	ssettag $0x2  }
0x1d8: {  	s0 =	rddreg [dreg:$0x0];
	s2 =	stileid.u32  }
0x1d9: {  	s1 =	rddreg [dreg:$0x1];
	p0 =	sne.s32 s2, $0x0  }
0x1da: {  	s3 =	rddreg [dreg:$0x2];
	[bflag:$0x3] =	sbarrier.arrive $0xFFFF;
	s2 =	simm.s32 @!p0 $0x1C01  }
0x1db: {  	[timem:s3], [sflag:s2] =	dma.local @!p0 [hbm:s0], s1  }
0x1dc: {  	s0 =	simm.s32 @!p0 $0x1  }
0x1dd: {  	_ =	swait.ge @!p0 [sflag:s0], s1  }
0x1de: {  	s1 =	ssub.s32 @!p0 $0x0, s1;
	[sflag:s0] =	ssyncset.done @!p0 $0x0  }
0x1df: {  	[sflag:s0] =	ssyncadd.s32 @!p0 s1  }
0x1e0: {  	[bflag:$0x3] =	sbarrier.arrive $0xFFFF  }
0x1e1: {  	_ =	shalt  }

</sc_bundles>
